<compile_context>
chip_gen: v7x
topology: tpu7x:2x2x1
jax: 0.10.2.dev20260603
libtpu: 0.0.44.dev20260713+nightly
codegen_flags: <defaults>
</compile_context>

<pallas_src>
import functools

import jax
import jax.numpy as jnp
from jax import lax
from jax.experimental import pallas as pl
from jax.experimental.pallas import tpu as pltpu
from jax.experimental.pallas import tpu_sc as plsc

N = 10000
E = 320000
D = 128
HC = 64

NC = 2
NS = 16
NW = NC * NS
EPW = E // NW
K = 80
CH = EPW // K
NP = 10240
RPS = NP // NS
ZR = 128



def _edge_body(src_hbm, dst_hbm, tabsrc_hbm, tabdst_hbm, out_hbm,
               src_idx, dst_idx, srcrows, dstrows, outrows, acc, zbuf,
               sem0, sem1):
    c = lax.axis_index("c")
    s = lax.axis_index("s")
    wid = c * NS + s

    zeros = jnp.zeros((16,), jnp.float32)

    def zrow(i, _):
        for g in range(8):
            zbuf[i, pl.ds(g * 16, 16)] = zeros
        return ()

    lax.fori_loop(0, ZR, zrow, ())
    for j in range(RPS // ZR):
        pltpu.sync_copy(zbuf, acc.at[pl.ds(s * RPS + j * ZR, ZR)])
    plsc.subcore_barrier()

    def chunk(i, _):
        base = wid * EPW + i * K
        pltpu.sync_copy(src_hbm.at[pl.ds(base, K)], src_idx)
        pltpu.sync_copy(dst_hbm.at[pl.ds(base, K)], dst_idx)
        ga = pltpu.async_copy(tabsrc_hbm.at[src_idx], srcrows, sem0)
        gb = pltpu.async_copy(tabdst_hbm.at[dst_idx], dstrows, sem1)
        ga.wait()
        gb.wait()

        def edge(e, _):
            for g in range(4):
                al = srcrows[e, pl.ds(g * 16, 16)]
                xl = srcrows[e, pl.ds(64 + g * 16, 16)]
                ar = dstrows[e, pl.ds(g * 16, 16)]
                aa = al + ar
                aa = jnp.where(aa > 0, aa, 0.2 * aa)
                ev = jnp.exp(aa)
                outrows[e, pl.ds(g * 16, 16)] = ev
                outrows[e, pl.ds(64 + g * 16, 16)] = ev * xl
            return ()

        lax.fori_loop(0, K, edge, ())
        pltpu.sync_copy(outrows, acc.at[dst_idx], add=True)
        return ()

    lax.fori_loop(0, CH, chunk, ())
    plsc.subcore_barrier()

    for j in range(RPS // ZR):
        r0 = s * RPS + j * ZR
        pltpu.sync_copy(acc.at[pl.ds(r0, ZR)], zbuf)
        pltpu.sync_copy(zbuf, out_hbm.at[c, pl.ds(r0, ZR)])


_edge_pass = pl.kernel(
    _edge_body,
    out_type=jax.ShapeDtypeStruct((NC, NP, 2 * HC), jnp.float32),
    mesh=plsc.VectorSubcoreMesh(core_axis_name="c", subcore_axis_name="s",
                                num_cores=NC, num_subcores=NS),
    scratch_types=[
        pltpu.VMEM((K,), jnp.int32),
        pltpu.VMEM((K,), jnp.int32),
        pltpu.VMEM((K, 2 * HC), jnp.float32),
        pltpu.VMEM((K, 2 * HC), jnp.float32),
        pltpu.VMEM((K, 2 * HC), jnp.float32),
        pltpu.VMEM_SHARED((NP, 2 * HC), jnp.float32),
        pltpu.VMEM((ZR, 2 * HC), jnp.float32),
        pltpu.SemaphoreType.DMA,
        pltpu.SemaphoreType.DMA,
    ],
)



def _prep1_body(x_ref, w_ref, b_ref, attl_ref, attr_ref, tabsrc_ref, tabdst_ref):
    xl = lax.dot_general(x_ref[...], w_ref[...], (((1,), (1,)), ((), ())),
                         preferred_element_type=jnp.float32) + b_ref[...]
    al = attl_ref[...] * xl
    ar = attr_ref[...] * xl
    tabsrc_ref[...] = jnp.concatenate([al, xl], axis=1)
    tabdst_ref[...] = jnp.concatenate([ar, ar], axis=1)


def _mid_body(acc_ref, w_ref, b_ref, attl_ref, attr_ref, tabsrc_ref, tabdst_ref):
    a = acc_ref[0, :N] + acc_ref[1, :N]
    den = a[:, :HC]
    num = a[:, HC:]
    h = jax.nn.relu(num / (den + 1e-16))
    xl = lax.dot_general(h, w_ref[...], (((1,), (1,)), ((), ())),
                         preferred_element_type=jnp.float32) + b_ref[...]
    al = attl_ref[...] * xl
    ar = attr_ref[...] * xl
    tabsrc_ref[...] = jnp.concatenate([al, xl], axis=1)
    tabdst_ref[...] = jnp.concatenate([ar, ar], axis=1)


def _post_body(acc_ref, wp1_ref, bp1_ref, wp2_ref, bp2_ref, out_ref):
    a = acc_ref[0, :N] + acc_ref[1, :N]
    den = a[:, :HC]
    num = a[:, HC:]
    h = jax.nn.relu(num / (den + 1e-16))
    p = lax.dot_general(h, wp1_ref[...], (((1,), (1,)), ((), ())),
                        preferred_element_type=jnp.float32) + bp1_ref[...]
    o = lax.dot_general(p, wp2_ref[...], (((1,), (1,)), ((), ())),
                        preferred_element_type=jnp.float32) + bp2_ref[...]
    m = jnp.max(o, axis=1, keepdims=True)
    lse = jnp.log(jnp.sum(jnp.exp(o - m), axis=1, keepdims=True)) + m
    out_ref[...] = o - lse


_prep1 = pl.pallas_call(
    _prep1_body,
    out_shape=[jax.ShapeDtypeStruct((N, 2 * HC), jnp.float32),
               jax.ShapeDtypeStruct((N, 2 * HC), jnp.float32)],
)

_mid = pl.pallas_call(
    _mid_body,
    out_shape=[jax.ShapeDtypeStruct((N, 2 * HC), jnp.float32),
               jax.ShapeDtypeStruct((N, 2 * HC), jnp.float32)],
)

_post = pl.pallas_call(
    _post_body,
    out_shape=jax.ShapeDtypeStruct((N, HC), jnp.float32),
)


def kernel(x, edge_index, W1, b1, att_l1, att_r1, W2, b2, att_l2, att_r2,
           Wp1, bp1, Wp2, bp2):
    src = edge_index[0].astype(jnp.int32)
    dst = edge_index[1].astype(jnp.int32)

    tabsrc1, tabdst1 = _prep1(x, W1, b1.reshape(1, HC),
                              att_l1.reshape(1, HC), att_r1.reshape(1, HC))
    acc1 = _edge_pass(src, dst, tabsrc1, tabdst1)
    tabsrc2, tabdst2 = _mid(acc1, W2, b2.reshape(1, HC),
                            att_l2.reshape(1, HC), att_r2.reshape(1, HC))
    acc2 = _edge_pass(src, dst, tabsrc2, tabdst2)
    return _post(acc2, Wp1, bp1.reshape(1, -1), Wp2, bp2.reshape(1, HC))

# --- scband reference (transcript-rebuilt; emitter-appended) ---
"""Pipeline reference for scband-gnnstack-86466281603777 (READ-ONLY COPY).

The authoritative reference and input builder live on the scoring server;
editing this copy changes nothing except your own understanding.
"""

import jax, jax.numpy as jnp
import numpy as np

N = 10000
E = 320000
D = 128
H = 2
C = 32
OUT = 64


def setup_inputs(seed: int = 0) -> dict:
    key = jax.random.key(seed)
    ks = jax.random.split(key, 16)
    inp = {}
    inp["x"] = jax.random.normal(ks[0], (N, D), dtype=jnp.float32)
    inp["edge_index"] = jax.random.randint(ks[1], (2, E), 0, N)
    # GAT layer 1: in=D, out=H*C
    inp["W1"] = jax.random.normal(ks[2], (H * C, D), dtype=jnp.float32) * (1.0 / np.sqrt(D))
    inp["b1"] = jnp.zeros((H * C,), dtype=jnp.float32)
    inp["att_l1"] = jax.random.normal(ks[3], (H, C), dtype=jnp.float32) * (1.0 / np.sqrt(C))
    inp["att_r1"] = jax.random.normal(ks[4], (H, C), dtype=jnp.float32) * (1.0 / np.sqrt(C))
    # GAT layer 2: in=H*C, out=H*C
    inp["W2"] = jax.random.normal(ks[5], (H * C, H * C), dtype=jnp.float32) * (1.0 / np.sqrt(H * C))
    inp["b2"] = jnp.zeros((H * C,), dtype=jnp.float32)
    inp["att_l2"] = jax.random.normal(ks[6], (H, C), dtype=jnp.float32) * (1.0 / np.sqrt(C))
    inp["att_r2"] = jax.random.normal(ks[7], (H, C), dtype=jnp.float32) * (1.0 / np.sqrt(C))
    # post_mp
    inp["Wp1"] = jax.random.normal(ks[8], (C, H * C), dtype=jnp.float32) * (1.0 / np.sqrt(H * C))
    inp["bp1"] = jnp.zeros((C,), dtype=jnp.float32)
    inp["Wp2"] = jax.random.normal(ks[9], (OUT, C), dtype=jnp.float32) * (1.0 / np.sqrt(C))
    inp["bp2"] = jnp.zeros((OUT,), dtype=jnp.float32)
    return inp


def gat_layer(x, src, dst, W, b, att_l, att_r):
    # lin_l == lin_r (shared), so x_l == x_r
    Hh, Cc = att_l.shape
    n = x.shape[0]
    xl = (x @ W.T + b).reshape(n, Hh, Cc)
    al = att_l * xl  # alpha_l [N,H,C]
    ar = att_r * xl  # alpha_r [N,H,C]
    # message: alpha = alpha_i + alpha_j = alpha_r[dst] + alpha_l[src]
    alpha = ar[dst] + al[src]
    alpha = jnp.where(alpha > 0, alpha, 0.2 * alpha)  # leaky_relu, slope=0.2
    # segment softmax over edges grouped by dst node (elementwise over H,C)
    m = jax.ops.segment_max(alpha, dst, num_segments=n)
    m = jnp.where(jnp.isfinite(m), m, 0.0)
    e = jnp.exp(alpha - m[dst])
    s = jax.ops.segment_sum(e, dst, num_segments=n)
    a = e / (s[dst] + 1e-16)
    # dropout in message runs in eval mode here (identity)
    out = jax.ops.segment_sum(xl[src] * a, dst, num_segments=n)
    return out.reshape(n, Hh * Cc)


def reference(x, edge_index, W1, b1, att_l1, att_r1, W2, b2, att_l2, att_r2, Wp1, bp1, Wp2, bp2):
    src = edge_index[0]
    dst = edge_index[1]
    h = jax.nn.relu(gat_layer(x, src, dst, W1, b1, att_l1, att_r1))
    # dropout (eval mode -> identity)
    h = jax.nn.relu(gat_layer(h, src, dst, W2, b2, att_l2, att_r2))
    # post_mp: Linear -> Dropout(eval) -> Linear
    h = h @ Wp1.T + bp1
    h = h @ Wp2.T + bp2
    return jax.nn.log_softmax(h, axis=1)

if __name__ == "__main__":
    import jax
    _d = setup_inputs()
    print(jax.jit(kernel)(*tuple(_d.values())))

</pallas_src>

<mosaic_0001>
#map = affine_map<(d0, d1) -> (0)>
#map1 = affine_map<(d0, d1) -> (0, 0)>
#map2 = affine_map<(d0, d1) -> (0, 0, 0)>
module attributes {stable_mosaic.version = 14 : i64} {
  func.func @_edge_body(%arg0: i32, %arg1: i32, %arg2: memref<320000xi32, #tpu.memory_space<hbm>>, %arg3: memref<320000xi32, #tpu.memory_space<hbm>>, %arg4: memref<10000x128xf32, #tpu.memory_space<hbm>>, %arg5: memref<10000x128xf32, #tpu.memory_space<hbm>>, %arg6: memref<2x10240x128xf32, #tpu.memory_space<hbm>>, %arg7: memref<80xi32, #tpu.memory_space<vmem>>, %arg8: memref<80xi32, #tpu.memory_space<vmem>>, %arg9: memref<80x128xf32, #tpu.memory_space<vmem>>, %arg10: memref<80x128xf32, #tpu.memory_space<vmem>>, %arg11: memref<80x128xf32, #tpu.memory_space<vmem>>, %arg12: memref<10240x128xf32, #tpu.memory_space<vmem_shared>>, %arg13: memref<128x128xf32, #tpu.memory_space<vmem>>, %arg14: memref<!tpu.dma_semaphore, #tpu.memory_space<semaphore_mem>>, %arg15: memref<!tpu.dma_semaphore, #tpu.memory_space<semaphore_mem>>) attributes {dimension_semantics = [#tpu.dimension_semantics<core_parallel>, #tpu.dimension_semantics<subcore_parallel>], iteration_bounds = array<i64: 2, 16>, scalar_prefetch = 0 : i64, scratch_operands = 9 : i64, tpu.core_type = #tpu.core_type<sc_vector_subcore>, window_params = [{transform_indices = #map}, {transform_indices = #map}, {transform_indices = #map1}, {transform_indices = #map1}, {transform_indices = #map2}]} {
    %mul3A = arith.constant 16 : i32
    %mul3A_0 = arith.muli %arg0, %mul3A : i32
    %add3A = arith.addi %mul3A_0, %arg1 : i32
    %broadcast_in_dim3A = arith.constant 0.000000e+00 : f32
    %broadcast_in_dim3A_1 = vector.broadcast %broadcast_in_dim3A : f32 to vector<16xf32>
    %scan3A = arith.constant 0 : i32
    %scan3A_2 = arith.constant 128 : i32
    %scan3A_3 = arith.addi %scan3A, %scan3A_2 : i32
    %scan3A_4 = arith.constant 1 : i32
    scf.for %scan3A_52 = %scan3A to %scan3A_3 step %scan3A_4  : i32 {
      %swap3A = arith.index_cast %scan3A_52 : i32 to index
      %swap3A_53 = arith.constant 0 : index
      %swap3A_54 = tpu.vector_load %arg13[%swap3A, %swap3A_53] {strides = array<i32>} : memref<128x128xf32, #tpu.memory_space<vmem>>, vector<1x16xf32>,
      %swap3A_55 = vector.shape_cast %swap3A_54 : vector<1x16xf32> to vector<16xf32>
      %swap3A_56 = vector.shape_cast %broadcast_in_dim3A_1 : vector<16xf32> to vector<1x16xf32>
      tpu.vector_store %arg13[%swap3A, %swap3A_53], %swap3A_56 {strides = array<i32>} : memref<128x128xf32, #tpu.memory_space<vmem>>, vector<1x16xf32>,
      %swap3A_57 = arith.index_cast %scan3A_52 : i32 to index
      %swap3A_58 = arith.constant 16 : index
      %swap3A_59 = tpu.vector_load %arg13[%swap3A_57, %swap3A_58] {strides = array<i32>} : memref<128x128xf32, #tpu.memory_space<vmem>>, vector<1x16xf32>,
      %swap3A_60 = vector.shape_cast %swap3A_59 : vector<1x16xf32> to vector<16xf32>
      %swap3A_61 = vector.shape_cast %broadcast_in_dim3A_1 : vector<16xf32> to vector<1x16xf32>
      tpu.vector_store %arg13[%swap3A_57, %swap3A_58], %swap3A_61 {strides = array<i32>} : memref<128x128xf32, #tpu.memory_space<vmem>>, vector<1x16xf32>,
      %swap3A_62 = arith.index_cast %scan3A_52 : i32 to index
      %swap3A_63 = arith.constant 32 : index
      %swap3A_64 = tpu.vector_load %arg13[%swap3A_62, %swap3A_63] {strides = array<i32>} : memref<128x128xf32, #tpu.memory_space<vmem>>, vector<1x16xf32>,
      %swap3A_65 = vector.shape_cast %swap3A_64 : vector<1x16xf32> to vector<16xf32>
      %swap3A_66 = vector.shape_cast %broadcast_in_dim3A_1 : vector<16xf32> to vector<1x16xf32>
      tpu.vector_store %arg13[%swap3A_62, %swap3A_63], %swap3A_66 {strides = array<i32>} : memref<128x128xf32, #tpu.memory_space<vmem>>, vector<1x16xf32>,
      %swap3A_67 = arith.index_cast %scan3A_52 : i32 to index
      %swap3A_68 = arith.constant 48 : index
      %swap3A_69 = tpu.vector_load %arg13[%swap3A_67, %swap3A_68] {strides = array<i32>} : memref<128x128xf32, #tpu.memory_space<vmem>>, vector<1x16xf32>,
      %swap3A_70 = vector.shape_cast %swap3A_69 : vector<1x16xf32> to vector<16xf32>
      %swap3A_71 = vector.shape_cast %broadcast_in_dim3A_1 : vector<16xf32> to vector<1x16xf32>
      tpu.vector_store %arg13[%swap3A_67, %swap3A_68], %swap3A_71 {strides = array<i32>} : memref<128x128xf32, #tpu.memory_space<vmem>>, vector<1x16xf32>,
      %swap3A_72 = arith.index_cast %scan3A_52 : i32 to index
      %swap3A_73 = arith.constant 64 : index
      %swap3A_74 = tpu.vector_load %arg13[%swap3A_72, %swap3A_73] {strides = array<i32>} : memref<128x128xf32, #tpu.memory_space<vmem>>, vector<1x16xf32>,
      %swap3A_75 = vector.shape_cast %swap3A_74 : vector<1x16xf32> to vector<16xf32>
      %swap3A_76 = vector.shape_cast %broadcast_in_dim3A_1 : vector<16xf32> to vector<1x16xf32>
      tpu.vector_store %arg13[%swap3A_72, %swap3A_73], %swap3A_76 {strides = array<i32>} : memref<128x128xf32, #tpu.memory_space<vmem>>, vector<1x16xf32>,
      %swap3A_77 = arith.index_cast %scan3A_52 : i32 to index
      %swap3A_78 = arith.constant 80 : index
      %swap3A_79 = tpu.vector_load %arg13[%swap3A_77, %swap3A_78] {strides = array<i32>} : memref<128x128xf32, #tpu.memory_space<vmem>>, vector<1x16xf32>,
      %swap3A_80 = vector.shape_cast %swap3A_79 : vector<1x16xf32> to vector<16xf32>
      %swap3A_81 = vector.shape_cast %broadcast_in_dim3A_1 : vector<16xf32> to vector<1x16xf32>
      tpu.vector_store %arg13[%swap3A_77, %swap3A_78], %swap3A_81 {strides = array<i32>} : memref<128x128xf32, #tpu.memory_space<vmem>>, vector<1x16xf32>,
      %swap3A_82 = arith.index_cast %scan3A_52 : i32 to index
      %swap3A_83 = arith.constant 96 : index
      %swap3A_84 = tpu.vector_load %arg13[%swap3A_82, %swap3A_83] {strides = array<i32>} : memref<128x128xf32, #tpu.memory_space<vmem>>, vector<1x16xf32>,
      %swap3A_85 = vector.shape_cast %swap3A_84 : vector<1x16xf32> to vector<16xf32>
      %swap3A_86 = vector.shape_cast %broadcast_in_dim3A_1 : vector<16xf32> to vector<1x16xf32>
      tpu.vector_store %arg13[%swap3A_82, %swap3A_83], %swap3A_86 {strides = array<i32>} : memref<128x128xf32, #tpu.memory_space<vmem>>, vector<1x16xf32>,
      %swap3A_87 = arith.index_cast %scan3A_52 : i32 to index
      %swap3A_88 = arith.constant 112 : index
      %swap3A_89 = tpu.vector_load %arg13[%swap3A_87, %swap3A_88] {strides = array<i32>} : memref<128x128xf32, #tpu.memory_space<vmem>>, vector<1x16xf32>,
      %swap3A_90 = vector.shape_cast %swap3A_89 : vector<1x16xf32> to vector<16xf32>
      %swap3A_91 = vector.shape_cast %broadcast_in_dim3A_1 : vector<16xf32> to vector<1x16xf32>
      tpu.vector_store %arg13[%swap3A_87, %swap3A_88], %swap3A_91 {strides = array<i32>} : memref<128x128xf32, #tpu.memory_space<vmem>>, vector<1x16xf32>,
    }
    %scan3A_5 = arith.constant 128 : i32
    %mul3A_6 = arith.constant 640 : i32
    %mul3A_7 = arith.muli %arg1, %mul3A_6 : i32
    %add3A_8 = arith.constant 0 : i32
    %add3A_9 = arith.addi %mul3A_7, %add3A_8 : i32
    "tpu.region"() ({
      %run_scoped3A = tpu.sem_alloc : memref<!tpu.dma_semaphore, #tpu.memory_space<semaphore_mem>>
      %dma_start3A = arith.constant 0 : i32
      %dma_start3A_52 = tpu.memref_slice %arg12[%add3A_9, %dma_start3A] : memref<10240x128xf32, #tpu.memory_space<vmem_shared>> -> memref<128x128xf32, #tpu.memory_space<vmem_shared>>
      %dma_start3A_53 = arith.constant 0 : i32
      %dma_start3A_54 = tpu.memref_slice %arg12[%add3A_9, %dma_start3A_53] : memref<10240x128xf32, #tpu.memory_space<vmem_shared>> -> memref<128x128xf32, #tpu.memory_space<vmem_shared>>
      tpu.enqueue_dma source(%arg13 : memref<128x128xf32, #tpu.memory_space<vmem>>) target(%dma_start3A_54 : memref<128x128xf32, #tpu.memory_space<vmem_shared>>) target_semaphore(%run_scoped3A : memref<!tpu.dma_semaphore, #tpu.memory_space<semaphore_mem>>)
      %dma_wait3A = arith.constant 0 : i32
      %dma_wait3A_55 = tpu.memref_slice %arg12[%add3A_9, %dma_wait3A] : memref<10240x128xf32, #tpu.memory_space<vmem_shared>> -> memref<128x128xf32, #tpu.memory_space<vmem_shared>>
      %dma_wait3A_56 = arith.constant 0 : i32
      %dma_wait3A_57 = tpu.memref_slice %arg12[%add3A_9, %dma_wait3A_56] : memref<10240x128xf32, #tpu.memory_space<vmem_shared>> -> memref<128x128xf32, #tpu.memory_space<vmem_shared>>
      tpu.wait_dma2 semaphore(%run_scoped3A : memref<!tpu.dma_semaphore, #tpu.memory_space<semaphore_mem>>) src(%arg13 : memref<128x128xf32, #tpu.memory_space<vmem>>) dst(%dma_wait3A_57 : memref<128x128xf32, #tpu.memory_space<vmem_shared>>)
      tpu.yield
    }) : () -> ()
    %mul3A_10 = arith.constant 640 : i32
    %mul3A_11 = arith.muli %arg1, %mul3A_10 : i32
    %add3A_12 = arith.constant 128 : i32
    %add3A_13 = arith.addi %mul3A_11, %add3A_12 : i32
    "tpu.region"() ({
      %run_scoped3A = tpu.sem_alloc : memref<!tpu.dma_semaphore, #tpu.memory_space<semaphore_mem>>
      %dma_start3A = arith.constant 0 : i32
      %dma_start3A_52 = tpu.memref_slice %arg12[%add3A_13, %dma_start3A] : memref<10240x128xf32, #tpu.memory_space<vmem_shared>> -> memref<128x128xf32, #tpu.memory_space<vmem_shared>>
      %dma_start3A_53 = arith.constant 0 : i32
      %dma_start3A_54 = tpu.memref_slice %arg12[%add3A_13, %dma_start3A_53] : memref<10240x128xf32, #tpu.memory_space<vmem_shared>> -> memref<128x128xf32, #tpu.memory_space<vmem_shared>>
      tpu.enqueue_dma source(%arg13 : memref<128x128xf32, #tpu.memory_space<vmem>>) target(%dma_start3A_54 : memref<128x128xf32, #tpu.memory_space<vmem_shared>>) target_semaphore(%run_scoped3A : memref<!tpu.dma_semaphore, #tpu.memory_space<semaphore_mem>>)
      %dma_wait3A = arith.constant 0 : i32
      %dma_wait3A_55 = tpu.memref_slice %arg12[%add3A_13, %dma_wait3A] : memref<10240x128xf32, #tpu.memory_space<vmem_shared>> -> memref<128x128xf32, #tpu.memory_space<vmem_shared>>
      %dma_wait3A_56 = arith.constant 0 : i32
      %dma_wait3A_57 = tpu.memref_slice %arg12[%add3A_13, %dma_wait3A_56] : memref<10240x128xf32, #tpu.memory_space<vmem_shared>> -> memref<128x128xf32, #tpu.memory_space<vmem_shared>>
      tpu.wait_dma2 semaphore(%run_scoped3A : memref<!tpu.dma_semaphore, #tpu.memory_space<semaphore_mem>>) src(%arg13 : memref<128x128xf32, #tpu.memory_space<vmem>>) dst(%dma_wait3A_57 : memref<128x128xf32, #tpu.memory_space<vmem_shared>>)
      tpu.yield
    }) : () -> ()
    %mul3A_14 = arith.constant 640 : i32
    %mul3A_15 = arith.muli %arg1, %mul3A_14 : i32
    %add3A_16 = arith.constant 256 : i32
    %add3A_17 = arith.addi %mul3A_15, %add3A_16 : i32
    "tpu.region"() ({
      %run_scoped3A = tpu.sem_alloc : memref<!tpu.dma_semaphore, #tpu.memory_space<semaphore_mem>>
      %dma_start3A = arith.constant 0 : i32
      %dma_start3A_52 = tpu.memref_slice %arg12[%add3A_17, %dma_start3A] : memref<10240x128xf32, #tpu.memory_space<vmem_shared>> -> memref<128x128xf32, #tpu.memory_space<vmem_shared>>
      %dma_start3A_53 = arith.constant 0 : i32
      %dma_start3A_54 = tpu.memref_slice %arg12[%add3A_17, %dma_start3A_53] : memref<10240x128xf32, #tpu.memory_space<vmem_shared>> -> memref<128x128xf32, #tpu.memory_space<vmem_shared>>
      tpu.enqueue_dma source(%arg13 : memref<128x128xf32, #tpu.memory_space<vmem>>) target(%dma_start3A_54 : memref<128x128xf32, #tpu.memory_space<vmem_shared>>) target_semaphore(%run_scoped3A : memref<!tpu.dma_semaphore, #tpu.memory_space<semaphore_mem>>)
      %dma_wait3A = arith.constant 0 : i32
      %dma_wait3A_55 = tpu.memref_slice %arg12[%add3A_17, %dma_wait3A] : memref<10240x128xf32, #tpu.memory_space<vmem_shared>> -> memref<128x128xf32, #tpu.memory_space<vmem_shared>>
      %dma_wait3A_56 = arith.constant 0 : i32
      %dma_wait3A_57 = tpu.memref_slice %arg12[%add3A_17, %dma_wait3A_56] : memref<10240x128xf32, #tpu.memory_space<vmem_shared>> -> memref<128x128xf32, #tpu.memory_space<vmem_shared>>
      tpu.wait_dma2 semaphore(%run_scoped3A : memref<!tpu.dma_semaphore, #tpu.memory_space<semaphore_mem>>) src(%arg13 : memref<128x128xf32, #tpu.memory_space<vmem>>) dst(%dma_wait3A_57 : memref<128x128xf32, #tpu.memory_space<vmem_shared>>)
      tpu.yield
    }) : () -> ()
    %mul3A_18 = arith.constant 640 : i32
    %mul3A_19 = arith.muli %arg1, %mul3A_18 : i32
    %add3A_20 = arith.constant 384 : i32
    %add3A_21 = arith.addi %mul3A_19, %add3A_20 : i32
    "tpu.region"() ({
      %run_scoped3A = tpu.sem_alloc : memref<!tpu.dma_semaphore, #tpu.memory_space<semaphore_mem>>
      %dma_start3A = arith.constant 0 : i32
      %dma_start3A_52 = tpu.memref_slice %arg12[%add3A_21, %dma_start3A] : memref<10240x128xf32, #tpu.memory_space<vmem_shared>> -> memref<128x128xf32, #tpu.memory_space<vmem_shared>>
      %dma_start3A_53 = arith.constant 0 : i32
      %dma_start3A_54 = tpu.memref_slice %arg12[%add3A_21, %dma_start3A_53] : memref<10240x128xf32, #tpu.memory_space<vmem_shared>> -> memref<128x128xf32, #tpu.memory_space<vmem_shared>>
      tpu.enqueue_dma source(%arg13 : memref<128x128xf32, #tpu.memory_space<vmem>>) target(%dma_start3A_54 : memref<128x128xf32, #tpu.memory_space<vmem_shared>>) target_semaphore(%run_scoped3A : memref<!tpu.dma_semaphore, #tpu.memory_space<semaphore_mem>>)
      %dma_wait3A = arith.constant 0 : i32
      %dma_wait3A_55 = tpu.memref_slice %arg12[%add3A_21, %dma_wait3A] : memref<10240x128xf32, #tpu.memory_space<vmem_shared>> -> memref<128x128xf32, #tpu.memory_space<vmem_shared>>
      %dma_wait3A_56 = arith.constant 0 : i32
      %dma_wait3A_57 = tpu.memref_slice %arg12[%add3A_21, %dma_wait3A_56] : memref<10240x128xf32, #tpu.memory_space<vmem_shared>> -> memref<128x128xf32, #tpu.memory_space<vmem_shared>>
      tpu.wait_dma2 semaphore(%run_scoped3A : memref<!tpu.dma_semaphore, #tpu.memory_space<semaphore_mem>>) src(%arg13 : memref<128x128xf32, #tpu.memory_space<vmem>>) dst(%dma_wait3A_57 : memref<128x128xf32, #tpu.memory_space<vmem_shared>>)
      tpu.yield
    }) : () -> ()
    %mul3A_22 = arith.constant 640 : i32
    %mul3A_23 = arith.muli %arg1, %mul3A_22 : i32
    %add3A_24 = arith.constant 512 : i32
    %add3A_25 = arith.addi %mul3A_23, %add3A_24 : i32
    "tpu.region"() ({
      %run_scoped3A = tpu.sem_alloc : memref<!tpu.dma_semaphore, #tpu.memory_space<semaphore_mem>>
      %dma_start3A = arith.constant 0 : i32
      %dma_start3A_52 = tpu.memref_slice %arg12[%add3A_25, %dma_start3A] : memref<10240x128xf32, #tpu.memory_space<vmem_shared>> -> memref<128x128xf32, #tpu.memory_space<vmem_shared>>
      %dma_start3A_53 = arith.constant 0 : i32
      %dma_start3A_54 = tpu.memref_slice %arg12[%add3A_25, %dma_start3A_53] : memref<10240x128xf32, #tpu.memory_space<vmem_shared>> -> memref<128x128xf32, #tpu.memory_space<vmem_shared>>
      tpu.enqueue_dma source(%arg13 : memref<128x128xf32, #tpu.memory_space<vmem>>) target(%dma_start3A_54 : memref<128x128xf32, #tpu.memory_space<vmem_shared>>) target_semaphore(%run_scoped3A : memref<!tpu.dma_semaphore, #tpu.memory_space<semaphore_mem>>)
      %dma_wait3A = arith.constant 0 : i32
      %dma_wait3A_55 = tpu.memref_slice %arg12[%add3A_25, %dma_wait3A] : memref<10240x128xf32, #tpu.memory_space<vmem_shared>> -> memref<128x128xf32, #tpu.memory_space<vmem_shared>>
      %dma_wait3A_56 = arith.constant 0 : i32
      %dma_wait3A_57 = tpu.memref_slice %arg12[%add3A_25, %dma_wait3A_56] : memref<10240x128xf32, #tpu.memory_space<vmem_shared>> -> memref<128x128xf32, #tpu.memory_space<vmem_shared>>
      tpu.wait_dma2 semaphore(%run_scoped3A : memref<!tpu.dma_semaphore, #tpu.memory_space<semaphore_mem>>) src(%arg13 : memref<128x128xf32, #tpu.memory_space<vmem>>) dst(%dma_wait3A_57 : memref<128x128xf32, #tpu.memory_space<vmem_shared>>)
      tpu.yield
    }) : () -> ()
    %barrier3A = arith.constant 0 : index
    tpu.barrier barrier_id(%barrier3A)
    %scan3A_26 = arith.constant 0 : i32
    %scan3A_27 = arith.constant 125 : i32
    %scan3A_28 = arith.addi %scan3A_26, %scan3A_27 : i32
    %scan3A_29 = arith.constant 1 : i32
    scf.for %scan3A_52 = %scan3A_26 to %scan3A_28 step %scan3A_29  : i32 {
      %mul3A_53 = arith.constant 10000 : i32
      %mul3A_54 = arith.muli %add3A, %mul3A_53 : i32
      %mul3A_55 = arith.constant 80 : i32
      %mul3A_56 = arith.muli %scan3A_52, %mul3A_55 : i32
      %add3A_57 = arith.addi %mul3A_54, %mul3A_56 : i32
      "tpu.region"() ({
        %run_scoped3A = tpu.sem_alloc : memref<!tpu.dma_semaphore, #tpu.memory_space<semaphore_mem>>
        %dma_start3A_73 = tpu.memref_slice %arg2[%add3A_57] : memref<320000xi32, #tpu.memory_space<hbm>> -> memref<80xi32, #tpu.memory_space<hbm>>
        %dma_start3A_74 = tpu.memref_slice %arg2[%add3A_57] : memref<320000xi32, #tpu.memory_space<hbm>> -> memref<80xi32, #tpu.memory_space<hbm>>
        tpu.enqueue_dma source(%dma_start3A_74 : memref<80xi32, #tpu.memory_space<hbm>>) target(%arg7 : memref<80xi32, #tpu.memory_space<vmem>>) target_semaphore(%run_scoped3A : memref<!tpu.dma_semaphore, #tpu.memory_space<semaphore_mem>>)
        %dma_wait3A_75 = tpu.memref_slice %arg2[%add3A_57] : memref<320000xi32, #tpu.memory_space<hbm>> -> memref<80xi32, #tpu.memory_space<hbm>>
        %dma_wait3A_76 = tpu.memref_slice %arg2[%add3A_57] : memref<320000xi32, #tpu.memory_space<hbm>> -> memref<80xi32, #tpu.memory_space<hbm>>
        tpu.wait_dma2 semaphore(%run_scoped3A : memref<!tpu.dma_semaphore, #tpu.memory_space<semaphore_mem>>) src(%dma_wait3A_76 : memref<80xi32, #tpu.memory_space<hbm>>) dst(%arg7 : memref<80xi32, #tpu.memory_space<vmem>>)
        tpu.yield
      }) : () -> ()
      "tpu.region"() ({
        %run_scoped3A = tpu.sem_alloc : memref<!tpu.dma_semaphore, #tpu.memory_space<semaphore_mem>>
        %dma_start3A_73 = tpu.memref_slice %arg3[%add3A_57] : memref<320000xi32, #tpu.memory_space<hbm>> -> memref<80xi32, #tpu.memory_space<hbm>>
        %dma_start3A_74 = tpu.memref_slice %arg3[%add3A_57] : memref<320000xi32, #tpu.memory_space<hbm>> -> memref<80xi32, #tpu.memory_space<hbm>>
        tpu.enqueue_dma source(%dma_start3A_74 : memref<80xi32, #tpu.memory_space<hbm>>) target(%arg8 : memref<80xi32, #tpu.memory_space<vmem>>) target_semaphore(%run_scoped3A : memref<!tpu.dma_semaphore, #tpu.memory_space<semaphore_mem>>)
        %dma_wait3A_75 = tpu.memref_slice %arg3[%add3A_57] : memref<320000xi32, #tpu.memory_space<hbm>> -> memref<80xi32, #tpu.memory_space<hbm>>
        %dma_wait3A_76 = tpu.memref_slice %arg3[%add3A_57] : memref<320000xi32, #tpu.memory_space<hbm>> -> memref<80xi32, #tpu.memory_space<hbm>>
        tpu.wait_dma2 semaphore(%run_scoped3A : memref<!tpu.dma_semaphore, #tpu.memory_space<semaphore_mem>>) src(%dma_wait3A_76 : memref<80xi32, #tpu.memory_space<hbm>>) dst(%arg8 : memref<80xi32, #tpu.memory_space<vmem>>)
        tpu.yield
      }) : () -> ()
      %dma_start3A = arith.constant 0 : i32
      %dma_start3A_58 = arith.constant 0 : i32
      %dma_start3A_59 = tpu.memref_slice %arg4[%dma_start3A, %dma_start3A_58] : memref<10000x128xf32, #tpu.memory_space<hbm>> -> memref<10000x128xf32, #tpu.memory_space<hbm>>
      tpu.enqueue_indirect_dma source(%dma_start3A_59 : memref<10000x128xf32, #tpu.memory_space<hbm>>) target(%arg9 : memref<80x128xf32, #tpu.memory_space<vmem>>) offsets(%arg7 : memref<80xi32, #tpu.memory_space<vmem>>) semaphore(%arg14 : memref<!tpu.dma_semaphore, #tpu.memory_space<semaphore_mem>>)
      %dma_start3A_60 = arith.constant 0 : i32
      %dma_start3A_61 = arith.constant 0 : i32
      %dma_start3A_62 = tpu.memref_slice %arg5[%dma_start3A_60, %dma_start3A_61] : memref<10000x128xf32, #tpu.memory_space<hbm>> -> memref<10000x128xf32, #tpu.memory_space<hbm>>
      tpu.enqueue_indirect_dma source(%dma_start3A_62 : memref<10000x128xf32, #tpu.memory_space<hbm>>) target(%arg10 : memref<80x128xf32, #tpu.memory_space<vmem>>) offsets(%arg8 : memref<80xi32, #tpu.memory_space<vmem>>) semaphore(%arg15 : memref<!tpu.dma_semaphore, #tpu.memory_space<semaphore_mem>>)
      %dma_wait3A = arith.constant 0 : i32
      %dma_wait3A_63 = arith.constant 0 : i32
      %dma_wait3A_64 = tpu.memref_slice %arg4[%dma_wait3A, %dma_wait3A_63] : memref<10000x128xf32, #tpu.memory_space<hbm>> -> memref<10000x128xf32, #tpu.memory_space<hbm>>
      tpu.wait_indirect_dma semaphore(%arg14 : memref<!tpu.dma_semaphore, #tpu.memory_space<semaphore_mem>>) src(%dma_wait3A_64 : memref<10000x128xf32, #tpu.memory_space<hbm>>) dst(%arg9 : memref<80x128xf32, #tpu.memory_space<vmem>>)
      %dma_wait3A_65 = arith.constant 0 : i32
      %dma_wait3A_66 = arith.constant 0 : i32
      %dma_wait3A_67 = tpu.memref_slice %arg5[%dma_wait3A_65, %dma_wait3A_66] : memref<10000x128xf32, #tpu.memory_space<hbm>> -> memref<10000x128xf32, #tpu.memory_space<hbm>>
      tpu.wait_indirect_dma semaphore(%arg15 : memref<!tpu.dma_semaphore, #tpu.memory_space<semaphore_mem>>) src(%dma_wait3A_67 : memref<10000x128xf32, #tpu.memory_space<hbm>>) dst(%arg10 : memref<80x128xf32, #tpu.memory_space<vmem>>)
      %scan3A_68 = arith.constant 0 : i32
      %scan3A_69 = arith.constant 80 : i32
      %scan3A_70 = arith.addi %scan3A_68, %scan3A_69 : i32
      %scan3A_71 = arith.constant 1 : i32
      scf.for %scan3A_73 = %scan3A_68 to %scan3A_70 step %scan3A_71  : i32 {
        %get3A = arith.index_cast %scan3A_73 : i32 to index
        %get3A_74 = arith.constant 0 : index
        %get3A_75 = tpu.vector_load %arg9[%get3A, %get3A_74] {strides = array<i32>} : memref<80x128xf32, #tpu.memory_space<vmem>>, vector<1x16xf32>,
        %get3A_76 = vector.shape_cast %get3A_75 : vector<1x16xf32> to vector<16xf32>
        %get3A_77 = arith.index_cast %scan3A_73 : i32 to index
        %get3A_78 = arith.constant 64 : index
        %get3A_79 = tpu.vector_load %arg9[%get3A_77, %get3A_78] {strides = array<i32>} : memref<80x128xf32, #tpu.memory_space<vmem>>, vector<1x16xf32>,
        %get3A_80 = vector.shape_cast %get3A_79 : vector<1x16xf32> to vector<16xf32>
        %get3A_81 = arith.index_cast %scan3A_73 : i32 to index
        %get3A_82 = arith.constant 0 : index
        %get3A_83 = tpu.vector_load %arg10[%get3A_81, %get3A_82] {strides = array<i32>} : memref<80x128xf32, #tpu.memory_space<vmem>>, vector<1x16xf32>,
        %get3A_84 = vector.shape_cast %get3A_83 : vector<1x16xf32> to vector<16xf32>
        %add3A_85 = arith.addf %get3A_76, %get3A_84 : vector<16xf32>
        %gt3A = arith.constant 0.000000e+00 : f32
        %gt3A_86 = vector.broadcast %gt3A : f32 to vector<16xf32>
        %gt3A_87 = arith.cmpf ogt, %add3A_85, %gt3A_86 : vector<16xf32>
        %mul3A_88 = arith.constant 2.000000e-01 : f32
        %mul3A_89 = vector.broadcast %mul3A_88 : f32 to vector<16xf32>
        %mul3A_90 = arith.mulf %mul3A_89, %add3A_85 : vector<16xf32>
        %select_n3A = arith.select %gt3A_87, %add3A_85, %mul3A_90 : vector<16xi1>, vector<16xf32>
        %exp3A = math.exp %select_n3A : vector<16xf32>
        %swap3A = arith.index_cast %scan3A_73 : i32 to index
        %swap3A_91 = arith.constant 0 : index
        %swap3A_92 = tpu.vector_load %arg11[%swap3A, %swap3A_91] {strides = array<i32>} : memref<80x128xf32, #tpu.memory_space<vmem>>, vector<1x16xf32>,
        %swap3A_93 = vector.shape_cast %swap3A_92 : vector<1x16xf32> to vector<16xf32>
        %swap3A_94 = vector.shape_cast %exp3A : vector<16xf32> to vector<1x16xf32>
        tpu.vector_store %arg11[%swap3A, %swap3A_91], %swap3A_94 {strides = array<i32>} : memref<80x128xf32, #tpu.memory_space<vmem>>, vector<1x16xf32>,
        %mul3A_95 = arith.mulf %exp3A, %get3A_80 : vector<16xf32>
        %swap3A_96 = arith.index_cast %scan3A_73 : i32 to index
        %swap3A_97 = arith.constant 64 : index
        %swap3A_98 = tpu.vector_load %arg11[%swap3A_96, %swap3A_97] {strides = array<i32>} : memref<80x128xf32, #tpu.memory_space<vmem>>, vector<1x16xf32>,
        %swap3A_99 = vector.shape_cast %swap3A_98 : vector<1x16xf32> to vector<16xf32>
        %swap3A_100 = vector.shape_cast %mul3A_95 : vector<16xf32> to vector<1x16xf32>
        tpu.vector_store %arg11[%swap3A_96, %swap3A_97], %swap3A_100 {strides = array<i32>} : memref<80x128xf32, #tpu.memory_space<vmem>>, vector<1x16xf32>,
        %get3A_101 = arith.index_cast %scan3A_73 : i32 to index
        %get3A_102 = arith.constant 16 : index
        %get3A_103 = tpu.vector_load %arg9[%get3A_101, %get3A_102] {strides = array<i32>} : memref<80x128xf32, #tpu.memory_space<vmem>>, vector<1x16xf32>,
        %get3A_104 = vector.shape_cast %get3A_103 : vector<1x16xf32> to vector<16xf32>
        %get3A_105 = arith.index_cast %scan3A_73 : i32 to index
        %get3A_106 = arith.constant 80 : index
        %get3A_107 = tpu.vector_load %arg9[%get3A_105, %get3A_106] {strides = array<i32>} : memref<80x128xf32, #tpu.memory_space<vmem>>, vector<1x16xf32>,
        %get3A_108 = vector.shape_cast %get3A_107 : vector<1x16xf32> to vector<16xf32>
        %get3A_109 = arith.index_cast %scan3A_73 : i32 to index
        %get3A_110 = arith.constant 16 : index
        %get3A_111 = tpu.vector_load %arg10[%get3A_109, %get3A_110] {strides = array<i32>} : memref<80x128xf32, #tpu.memory_space<vmem>>, vector<1x16xf32>,
        %get3A_112 = vector.shape_cast %get3A_111 : vector<1x16xf32> to vector<16xf32>
        %add3A_113 = arith.addf %get3A_104, %get3A_112 : vector<16xf32>
        %gt3A_114 = arith.constant 0.000000e+00 : f32
        %gt3A_115 = vector.broadcast %gt3A_114 : f32 to vector<16xf32>
        %gt3A_116 = arith.cmpf ogt, %add3A_113, %gt3A_115 : vector<16xf32>
        %mul3A_117 = arith.constant 2.000000e-01 : f32
        %mul3A_118 = vector.broadcast %mul3A_117 : f32 to vector<16xf32>
        %mul3A_119 = arith.mulf %mul3A_118, %add3A_113 : vector<16xf32>
        %select_n3A_120 = arith.select %gt3A_116, %add3A_113, %mul3A_119 : vector<16xi1>, vector<16xf32>
        %exp3A_121 = math.exp %select_n3A_120 : vector<16xf32>
        %swap3A_122 = arith.index_cast %scan3A_73 : i32 to index
        %swap3A_123 = arith.constant 16 : index
        %swap3A_124 = tpu.vector_load %arg11[%swap3A_122, %swap3A_123] {strides = array<i32>} : memref<80x128xf32, #tpu.memory_space<vmem>>, vector<1x16xf32>,
        %swap3A_125 = vector.shape_cast %swap3A_124 : vector<1x16xf32> to vector<16xf32>
        %swap3A_126 = vector.shape_cast %exp3A_121 : vector<16xf32> to vector<1x16xf32>
        tpu.vector_store %arg11[%swap3A_122, %swap3A_123], %swap3A_126 {strides = array<i32>} : memref<80x128xf32, #tpu.memory_space<vmem>>, vector<1x16xf32>,
        %mul3A_127 = arith.mulf %exp3A_121, %get3A_108 : vector<16xf32>
        %swap3A_128 = arith.index_cast %scan3A_73 : i32 to index
        %swap3A_129 = arith.constant 80 : index
        %swap3A_130 = tpu.vector_load %arg11[%swap3A_128, %swap3A_129] {strides = array<i32>} : memref<80x128xf32, #tpu.memory_space<vmem>>, vector<1x16xf32>,
        %swap3A_131 = vector.shape_cast %swap3A_130 : vector<1x16xf32> to vector<16xf32>
        %swap3A_132 = vector.shape_cast %mul3A_127 : vector<16xf32> to vector<1x16xf32>
        tpu.vector_store %arg11[%swap3A_128, %swap3A_129], %swap3A_132 {strides = array<i32>} : memref<80x128xf32, #tpu.memory_space<vmem>>, vector<1x16xf32>,
        %get3A_133 = arith.index_cast %scan3A_73 : i32 to index
        %get3A_134 = arith.constant 32 : index
        %get3A_135 = tpu.vector_load %arg9[%get3A_133, %get3A_134] {strides = array<i32>} : memref<80x128xf32, #tpu.memory_space<vmem>>, vector<1x16xf32>,
        %get3A_136 = vector.shape_cast %get3A_135 : vector<1x16xf32> to vector<16xf32>
        %get3A_137 = arith.index_cast %scan3A_73 : i32 to index
        %get3A_138 = arith.constant 96 : index
        %get3A_139 = tpu.vector_load %arg9[%get3A_137, %get3A_138] {strides = array<i32>} : memref<80x128xf32, #tpu.memory_space<vmem>>, vector<1x16xf32>,
        %get3A_140 = vector.shape_cast %get3A_139 : vector<1x16xf32> to vector<16xf32>
        %get3A_141 = arith.index_cast %scan3A_73 : i32 to index
        %get3A_142 = arith.constant 32 : index
        %get3A_143 = tpu.vector_load %arg10[%get3A_141, %get3A_142] {strides = array<i32>} : memref<80x128xf32, #tpu.memory_space<vmem>>, vector<1x16xf32>,
        %get3A_144 = vector.shape_cast %get3A_143 : vector<1x16xf32> to vector<16xf32>
        %add3A_145 = arith.addf %get3A_136, %get3A_144 : vector<16xf32>
        %gt3A_146 = arith.constant 0.000000e+00 : f32
        %gt3A_147 = vector.broadcast %gt3A_146 : f32 to vector<16xf32>
        %gt3A_148 = arith.cmpf ogt, %add3A_145, %gt3A_147 : vector<16xf32>
        %mul3A_149 = arith.constant 2.000000e-01 : f32
        %mul3A_150 = vector.broadcast %mul3A_149 : f32 to vector<16xf32>
        %mul3A_151 = arith.mulf %mul3A_150, %add3A_145 : vector<16xf32>
        %select_n3A_152 = arith.select %gt3A_148, %add3A_145, %mul3A_151 : vector<16xi1>, vector<16xf32>
        %exp3A_153 = math.exp %select_n3A_152 : vector<16xf32>
        %swap3A_154 = arith.index_cast %scan3A_73 : i32 to index
        %swap3A_155 = arith.constant 32 : index
        %swap3A_156 = tpu.vector_load %arg11[%swap3A_154, %swap3A_155] {strides = array<i32>} : memref<80x128xf32, #tpu.memory_space<vmem>>, vector<1x16xf32>,
        %swap3A_157 = vector.shape_cast %swap3A_156 : vector<1x16xf32> to vector<16xf32>
        %swap3A_158 = vector.shape_cast %exp3A_153 : vector<16xf32> to vector<1x16xf32>
        tpu.vector_store %arg11[%swap3A_154, %swap3A_155], %swap3A_158 {strides = array<i32>} : memref<80x128xf32, #tpu.memory_space<vmem>>, vector<1x16xf32>,
        %mul3A_159 = arith.mulf %exp3A_153, %get3A_140 : vector<16xf32>
        %swap3A_160 = arith.index_cast %scan3A_73 : i32 to index
        %swap3A_161 = arith.constant 96 : index
        %swap3A_162 = tpu.vector_load %arg11[%swap3A_160, %swap3A_161] {strides = array<i32>} : memref<80x128xf32, #tpu.memory_space<vmem>>, vector<1x16xf32>,
        %swap3A_163 = vector.shape_cast %swap3A_162 : vector<1x16xf32> to vector<16xf32>
        %swap3A_164 = vector.shape_cast %mul3A_159 : vector<16xf32> to vector<1x16xf32>
        tpu.vector_store %arg11[%swap3A_160, %swap3A_161], %swap3A_164 {strides = array<i32>} : memref<80x128xf32, #tpu.memory_space<vmem>>, vector<1x16xf32>,
        %get3A_165 = arith.index_cast %scan3A_73 : i32 to index
        %get3A_166 = arith.constant 48 : index
        %get3A_167 = tpu.vector_load %arg9[%get3A_165, %get3A_166] {strides = array<i32>} : memref<80x128xf32, #tpu.memory_space<vmem>>, vector<1x16xf32>,
        %get3A_168 = vector.shape_cast %get3A_167 : vector<1x16xf32> to vector<16xf32>
        %get3A_169 = arith.index_cast %scan3A_73 : i32 to index
        %get3A_170 = arith.constant 112 : index
        %get3A_171 = tpu.vector_load %arg9[%get3A_169, %get3A_170] {strides = array<i32>} : memref<80x128xf32, #tpu.memory_space<vmem>>, vector<1x16xf32>,
        %get3A_172 = vector.shape_cast %get3A_171 : vector<1x16xf32> to vector<16xf32>
        %get3A_173 = arith.index_cast %scan3A_73 : i32 to index
        %get3A_174 = arith.constant 48 : index
        %get3A_175 = tpu.vector_load %arg10[%get3A_173, %get3A_174] {strides = array<i32>} : memref<80x128xf32, #tpu.memory_space<vmem>>, vector<1x16xf32>,
        %get3A_176 = vector.shape_cast %get3A_175 : vector<1x16xf32> to vector<16xf32>
        %add3A_177 = arith.addf %get3A_168, %get3A_176 : vector<16xf32>
        %gt3A_178 = arith.constant 0.000000e+00 : f32
        %gt3A_179 = vector.broadcast %gt3A_178 : f32 to vector<16xf32>
        %gt3A_180 = arith.cmpf ogt, %add3A_177, %gt3A_179 : vector<16xf32>
        %mul3A_181 = arith.constant 2.000000e-01 : f32
        %mul3A_182 = vector.broadcast %mul3A_181 : f32 to vector<16xf32>
        %mul3A_183 = arith.mulf %mul3A_182, %add3A_177 : vector<16xf32>
        %select_n3A_184 = arith.select %gt3A_180, %add3A_177, %mul3A_183 : vector<16xi1>, vector<16xf32>
        %exp3A_185 = math.exp %select_n3A_184 : vector<16xf32>
        %swap3A_186 = arith.index_cast %scan3A_73 : i32 to index
        %swap3A_187 = arith.constant 48 : index
        %swap3A_188 = tpu.vector_load %arg11[%swap3A_186, %swap3A_187] {strides = array<i32>} : memref<80x128xf32, #tpu.memory_space<vmem>>, vector<1x16xf32>,
        %swap3A_189 = vector.shape_cast %swap3A_188 : vector<1x16xf32> to vector<16xf32>
        %swap3A_190 = vector.shape_cast %exp3A_185 : vector<16xf32> to vector<1x16xf32>
        tpu.vector_store %arg11[%swap3A_186, %swap3A_187], %swap3A_190 {strides = array<i32>} : memref<80x128xf32, #tpu.memory_space<vmem>>, vector<1x16xf32>,
        %mul3A_191 = arith.mulf %exp3A_185, %get3A_172 : vector<16xf32>
        %swap3A_192 = arith.index_cast %scan3A_73 : i32 to index
        %swap3A_193 = arith.constant 112 : index
        %swap3A_194 = tpu.vector_load %arg11[%swap3A_192, %swap3A_193] {strides = array<i32>} : memref<80x128xf32, #tpu.memory_space<vmem>>, vector<1x16xf32>,
        %swap3A_195 = vector.shape_cast %swap3A_194 : vector<1x16xf32> to vector<16xf32>
        %swap3A_196 = vector.shape_cast %mul3A_191 : vector<16xf32> to vector<1x16xf32>
        tpu.vector_store %arg11[%swap3A_192, %swap3A_193], %swap3A_196 {strides = array<i32>} : memref<80x128xf32, #tpu.memory_space<vmem>>, vector<1x16xf32>,
      }
      %scan3A_72 = arith.constant 80 : i32
      "tpu.region"() ({
        %run_scoped3A = tpu.sem_alloc : memref<!tpu.dma_semaphore, #tpu.memory_space<semaphore_mem>>
        %dma_start3A_73 = arith.constant 0 : i32
        %dma_start3A_74 = arith.constant 0 : i32
        %dma_start3A_75 = tpu.memref_slice %arg12[%dma_start3A_73, %dma_start3A_74] : memref<10240x128xf32, #tpu.memory_space<vmem_shared>> -> memref<10240x128xf32, #tpu.memory_space<vmem_shared>>
        tpu.enqueue_indirect_dma source(%arg11 : memref<80x128xf32, #tpu.memory_space<vmem>>) target(%dma_start3A_75 : memref<10240x128xf32, #tpu.memory_space<vmem_shared>>) offsets(%arg8 : memref<80xi32, #tpu.memory_space<vmem>>) semaphore(%run_scoped3A : memref<!tpu.dma_semaphore, #tpu.memory_space<semaphore_mem>>) {add = true}
        %dma_wait3A_76 = arith.constant 0 : i32
        %dma_wait3A_77 = arith.constant 0 : i32
        %dma_wait3A_78 = tpu.memref_slice %arg12[%dma_wait3A_76, %dma_wait3A_77] : memref<10240x128xf32, #tpu.memory_space<vmem_shared>> -> memref<10240x128xf32, #tpu.memory_space<vmem_shared>>
        tpu.wait_indirect_dma semaphore(%run_scoped3A : memref<!tpu.dma_semaphore, #tpu.memory_space<semaphore_mem>>) src(%arg11 : memref<80x128xf32, #tpu.memory_space<vmem>>) dst(%dma_wait3A_78 : memref<10240x128xf32, #tpu.memory_space<vmem_shared>>)
        tpu.yield
      }) : () -> ()
    }
    %scan3A_30 = arith.constant 125 : i32
    %barrier3A_31 = arith.constant 0 : index
    tpu.barrier barrier_id(%barrier3A_31)
    %mul3A_32 = arith.constant 640 : i32
    %mul3A_33 = arith.muli %arg1, %mul3A_32 : i32
    %add3A_34 = arith.constant 0 : i32
    %add3A_35 = arith.addi %mul3A_33, %add3A_34 : i32
    "tpu.region"() ({
      %run_scoped3A = tpu.sem_alloc : memref<!tpu.dma_semaphore, #tpu.memory_space<semaphore_mem>>
      %dma_start3A = arith.constant 0 : i32
      %dma_start3A_52 = tpu.memref_slice %arg12[%add3A_35, %dma_start3A] : memref<10240x128xf32, #tpu.memory_space<vmem_shared>> -> memref<128x128xf32, #tpu.memory_space<vmem_shared>>
      %dma_start3A_53 = arith.constant 0 : i32
      %dma_start3A_54 = tpu.memref_slice %arg12[%add3A_35, %dma_start3A_53] : memref<10240x128xf32, #tpu.memory_space<vmem_shared>> -> memref<128x128xf32, #tpu.memory_space<vmem_shared>>
      tpu.enqueue_dma source(%dma_start3A_54 : memref<128x128xf32, #tpu.memory_space<vmem_shared>>) target(%arg13 : memref<128x128xf32, #tpu.memory_space<vmem>>) target_semaphore(%run_scoped3A : memref<!tpu.dma_semaphore, #tpu.memory_space<semaphore_mem>>)
      %dma_wait3A = arith.constant 0 : i32
      %dma_wait3A_55 = tpu.memref_slice %arg12[%add3A_35, %dma_wait3A] : memref<10240x128xf32, #tpu.memory_space<vmem_shared>> -> memref<128x128xf32, #tpu.memory_space<vmem_shared>>
      %dma_wait3A_56 = arith.constant 0 : i32
      %dma_wait3A_57 = tpu.memref_slice %arg12[%add3A_35, %dma_wait3A_56] : memref<10240x128xf32, #tpu.memory_space<vmem_shared>> -> memref<128x128xf32, #tpu.memory_space<vmem_shared>>
      tpu.wait_dma2 semaphore(%run_scoped3A : memref<!tpu.dma_semaphore, #tpu.memory_space<semaphore_mem>>) src(%dma_wait3A_57 : memref<128x128xf32, #tpu.memory_space<vmem_shared>>) dst(%arg13 : memref<128x128xf32, #tpu.memory_space<vmem>>)
      tpu.yield
    }) : () -> ()
    "tpu.region"() ({
      %run_scoped3A = tpu.sem_alloc : memref<!tpu.dma_semaphore, #tpu.memory_space<semaphore_mem>>
      %dma_start3A = arith.constant 0 : i32
      %dma_start3A_52 = tpu.memref_slice %arg6[%arg0, %add3A_35, %dma_start3A] : memref<2x10240x128xf32, #tpu.memory_space<hbm>> -> memref<1x128x128xf32, #tpu.memory_space<hbm>>
      %dma_start3A_53 = tpu.memref_squeeze %dma_start3A_52 : memref<1x128x128xf32, #tpu.memory_space<hbm>> -> memref<128x128xf32, #tpu.memory_space<hbm>>
      %dma_start3A_54 = arith.constant 0 : i32
      %dma_start3A_55 = tpu.memref_slice %arg6[%arg0, %add3A_35, %dma_start3A_54] : memref<2x10240x128xf32, #tpu.memory_space<hbm>> -> memref<1x128x128xf32, #tpu.memory_space<hbm>>
      %dma_start3A_56 = tpu.memref_squeeze %dma_start3A_55 : memref<1x128x128xf32, #tpu.memory_space<hbm>> -> memref<128x128xf32, #tpu.memory_space<hbm>>
      tpu.enqueue_dma source(%arg13 : memref<128x128xf32, #tpu.memory_space<vmem>>) target(%dma_start3A_56 : memref<128x128xf32, #tpu.memory_space<hbm>>) target_semaphore(%run_scoped3A : memref<!tpu.dma_semaphore, #tpu.memory_space<semaphore_mem>>)
      %dma_wait3A = arith.constant 0 : i32
      %dma_wait3A_57 = tpu.memref_slice %arg6[%arg0, %add3A_35, %dma_wait3A] : memref<2x10240x128xf32, #tpu.memory_space<hbm>> -> memref<1x128x128xf32, #tpu.memory_space<hbm>>
      %dma_wait3A_58 = tpu.memref_squeeze %dma_wait3A_57 : memref<1x128x128xf32, #tpu.memory_space<hbm>> -> memref<128x128xf32, #tpu.memory_space<hbm>>
      %dma_wait3A_59 = arith.constant 0 : i32
      %dma_wait3A_60 = tpu.memref_slice %arg6[%arg0, %add3A_35, %dma_wait3A_59] : memref<2x10240x128xf32, #tpu.memory_space<hbm>> -> memref<1x128x128xf32, #tpu.memory_space<hbm>>
      %dma_wait3A_61 = tpu.memref_squeeze %dma_wait3A_60 : memref<1x128x128xf32, #tpu.memory_space<hbm>> -> memref<128x128xf32, #tpu.memory_space<hbm>>
      tpu.wait_dma2 semaphore(%run_scoped3A : memref<!tpu.dma_semaphore, #tpu.memory_space<semaphore_mem>>) src(%arg13 : memref<128x128xf32, #tpu.memory_space<vmem>>) dst(%dma_wait3A_61 : memref<128x128xf32, #tpu.memory_space<hbm>>)
      tpu.yield
    }) : () -> ()
    %mul3A_36 = arith.constant 640 : i32
    %mul3A_37 = arith.muli %arg1, %mul3A_36 : i32
    %add3A_38 = arith.constant 128 : i32
    %add3A_39 = arith.addi %mul3A_37, %add3A_38 : i32
    "tpu.region"() ({
      %run_scoped3A = tpu.sem_alloc : memref<!tpu.dma_semaphore, #tpu.memory_space<semaphore_mem>>
      %dma_start3A = arith.constant 0 : i32
      %dma_start3A_52 = tpu.memref_slice %arg12[%add3A_39, %dma_start3A] : memref<10240x128xf32, #tpu.memory_space<vmem_shared>> -> memref<128x128xf32, #tpu.memory_space<vmem_shared>>
      %dma_start3A_53 = arith.constant 0 : i32
      %dma_start3A_54 = tpu.memref_slice %arg12[%add3A_39, %dma_start3A_53] : memref<10240x128xf32, #tpu.memory_space<vmem_shared>> -> memref<128x128xf32, #tpu.memory_space<vmem_shared>>
      tpu.enqueue_dma source(%dma_start3A_54 : memref<128x128xf32, #tpu.memory_space<vmem_shared>>) target(%arg13 : memref<128x128xf32, #tpu.memory_space<vmem>>) target_semaphore(%run_scoped3A : memref<!tpu.dma_semaphore, #tpu.memory_space<semaphore_mem>>)
      %dma_wait3A = arith.constant 0 : i32
      %dma_wait3A_55 = tpu.memref_slice %arg12[%add3A_39, %dma_wait3A] : memref<10240x128xf32, #tpu.memory_space<vmem_shared>> -> memref<128x128xf32, #tpu.memory_space<vmem_shared>>
      %dma_wait3A_56 = arith.constant 0 : i32
      %dma_wait3A_57 = tpu.memref_slice %arg12[%add3A_39, %dma_wait3A_56] : memref<10240x128xf32, #tpu.memory_space<vmem_shared>> -> memref<128x128xf32, #tpu.memory_space<vmem_shared>>
      tpu.wait_dma2 semaphore(%run_scoped3A : memref<!tpu.dma_semaphore, #tpu.memory_space<semaphore_mem>>) src(%dma_wait3A_57 : memref<128x128xf32, #tpu.memory_space<vmem_shared>>) dst(%arg13 : memref<128x128xf32, #tpu.memory_space<vmem>>)
      tpu.yield
    }) : () -> ()
    "tpu.region"() ({
      %run_scoped3A = tpu.sem_alloc : memref<!tpu.dma_semaphore, #tpu.memory_space<semaphore_mem>>
      %dma_start3A = arith.constant 0 : i32
      %dma_start3A_52 = tpu.memref_slice %arg6[%arg0, %add3A_39, %dma_start3A] : memref<2x10240x128xf32, #tpu.memory_space<hbm>> -> memref<1x128x128xf32, #tpu.memory_space<hbm>>
      %dma_start3A_53 = tpu.memref_squeeze %dma_start3A_52 : memref<1x128x128xf32, #tpu.memory_space<hbm>> -> memref<128x128xf32, #tpu.memory_space<hbm>>
      %dma_start3A_54 = arith.constant 0 : i32
      %dma_start3A_55 = tpu.memref_slice %arg6[%arg0, %add3A_39, %dma_start3A_54] : memref<2x10240x128xf32, #tpu.memory_space<hbm>> -> memref<1x128x128xf32, #tpu.memory_space<hbm>>
      %dma_start3A_56 = tpu.memref_squeeze %dma_start3A_55 : memref<1x128x128xf32, #tpu.memory_space<hbm>> -> memref<128x128xf32, #tpu.memory_space<hbm>>
      tpu.enqueue_dma source(%arg13 : memref<128x128xf32, #tpu.memory_space<vmem>>) target(%dma_start3A_56 : memref<128x128xf32, #tpu.memory_space<hbm>>) target_semaphore(%run_scoped3A : memref<!tpu.dma_semaphore, #tpu.memory_space<semaphore_mem>>)
      %dma_wait3A = arith.constant 0 : i32
      %dma_wait3A_57 = tpu.memref_slice %arg6[%arg0, %add3A_39, %dma_wait3A] : memref<2x10240x128xf32, #tpu.memory_space<hbm>> -> memref<1x128x128xf32, #tpu.memory_space<hbm>>
      %dma_wait3A_58 = tpu.memref_squeeze %dma_wait3A_57 : memref<1x128x128xf32, #tpu.memory_space<hbm>> -> memref<128x128xf32, #tpu.memory_space<hbm>>
      %dma_wait3A_59 = arith.constant 0 : i32
      %dma_wait3A_60 = tpu.memref_slice %arg6[%arg0, %add3A_39, %dma_wait3A_59] : memref<2x10240x128xf32, #tpu.memory_space<hbm>> -> memref<1x128x128xf32, #tpu.memory_space<hbm>>
      %dma_wait3A_61 = tpu.memref_squeeze %dma_wait3A_60 : memref<1x128x128xf32, #tpu.memory_space<hbm>> -> memref<128x128xf32, #tpu.memory_space<hbm>>
      tpu.wait_dma2 semaphore(%run_scoped3A : memref<!tpu.dma_semaphore, #tpu.memory_space<semaphore_mem>>) src(%arg13 : memref<128x128xf32, #tpu.memory_space<vmem>>) dst(%dma_wait3A_61 : memref<128x128xf32, #tpu.memory_space<hbm>>)
      tpu.yield
    }) : () -> ()
    %mul3A_40 = arith.constant 640 : i32
    %mul3A_41 = arith.muli %arg1, %mul3A_40 : i32
    %add3A_42 = arith.constant 256 : i32
    %add3A_43 = arith.addi %mul3A_41, %add3A_42 : i32
    "tpu.region"() ({
      %run_scoped3A = tpu.sem_alloc : memref<!tpu.dma_semaphore, #tpu.memory_space<semaphore_mem>>
      %dma_start3A = arith.constant 0 : i32
      %dma_start3A_52 = tpu.memref_slice %arg12[%add3A_43, %dma_start3A] : memref<10240x128xf32, #tpu.memory_space<vmem_shared>> -> memref<128x128xf32, #tpu.memory_space<vmem_shared>>
      %dma_start3A_53 = arith.constant 0 : i32
      %dma_start3A_54 = tpu.memref_slice %arg12[%add3A_43, %dma_start3A_53] : memref<10240x128xf32, #tpu.memory_space<vmem_shared>> -> memref<128x128xf32, #tpu.memory_space<vmem_shared>>
      tpu.enqueue_dma source(%dma_start3A_54 : memref<128x128xf32, #tpu.memory_space<vmem_shared>>) target(%arg13 : memref<128x128xf32, #tpu.memory_space<vmem>>) target_semaphore(%run_scoped3A : memref<!tpu.dma_semaphore, #tpu.memory_space<semaphore_mem>>)
      %dma_wait3A = arith.constant 0 : i32
      %dma_wait3A_55 = tpu.memref_slice %arg12[%add3A_43, %dma_wait3A] : memref<10240x128xf32, #tpu.memory_space<vmem_shared>> -> memref<128x128xf32, #tpu.memory_space<vmem_shared>>
      %dma_wait3A_56 = arith.constant 0 : i32
      %dma_wait3A_57 = tpu.memref_slice %arg12[%add3A_43, %dma_wait3A_56] : memref<10240x128xf32, #tpu.memory_space<vmem_shared>> -> memref<128x128xf32, #tpu.memory_space<vmem_shared>>
      tpu.wait_dma2 semaphore(%run_scoped3A : memref<!tpu.dma_semaphore, #tpu.memory_space<semaphore_mem>>) src(%dma_wait3A_57 : memref<128x128xf32, #tpu.memory_space<vmem_shared>>) dst(%arg13 : memref<128x128xf32, #tpu.memory_space<vmem>>)
      tpu.yield
    }) : () -> ()
    "tpu.region"() ({
      %run_scoped3A = tpu.sem_alloc : memref<!tpu.dma_semaphore, #tpu.memory_space<semaphore_mem>>
      %dma_start3A = arith.constant 0 : i32
      %dma_start3A_52 = tpu.memref_slice %arg6[%arg0, %add3A_43, %dma_start3A] : memref<2x10240x128xf32, #tpu.memory_space<hbm>> -> memref<1x128x128xf32, #tpu.memory_space<hbm>>
      %dma_start3A_53 = tpu.memref_squeeze %dma_start3A_52 : memref<1x128x128xf32, #tpu.memory_space<hbm>> -> memref<128x128xf32, #tpu.memory_space<hbm>>
      %dma_start3A_54 = arith.constant 0 : i32
      %dma_start3A_55 = tpu.memref_slice %arg6[%arg0, %add3A_43, %dma_start3A_54] : memref<2x10240x128xf32, #tpu.memory_space<hbm>> -> memref<1x128x128xf32, #tpu.memory_space<hbm>>
      %dma_start3A_56 = tpu.memref_squeeze %dma_start3A_55 : memref<1x128x128xf32, #tpu.memory_space<hbm>> -> memref<128x128xf32, #tpu.memory_space<hbm>>
      tpu.enqueue_dma source(%arg13 : memref<128x128xf32, #tpu.memory_space<vmem>>) target(%dma_start3A_56 : memref<128x128xf32, #tpu.memory_space<hbm>>) target_semaphore(%run_scoped3A : memref<!tpu.dma_semaphore, #tpu.memory_space<semaphore_mem>>)
      %dma_wait3A = arith.constant 0 : i32
      %dma_wait3A_57 = tpu.memref_slice %arg6[%arg0, %add3A_43, %dma_wait3A] : memref<2x10240x128xf32, #tpu.memory_space<hbm>> -> memref<1x128x128xf32, #tpu.memory_space<hbm>>
      %dma_wait3A_58 = tpu.memref_squeeze %dma_wait3A_57 : memref<1x128x128xf32, #tpu.memory_space<hbm>> -> memref<128x128xf32, #tpu.memory_space<hbm>>
      %dma_wait3A_59 = arith.constant 0 : i32
      %dma_wait3A_60 = tpu.memref_slice %arg6[%arg0, %add3A_43, %dma_wait3A_59] : memref<2x10240x128xf32, #tpu.memory_space<hbm>> -> memref<1x128x128xf32, #tpu.memory_space<hbm>>
      %dma_wait3A_61 = tpu.memref_squeeze %dma_wait3A_60 : memref<1x128x128xf32, #tpu.memory_space<hbm>> -> memref<128x128xf32, #tpu.memory_space<hbm>>
      tpu.wait_dma2 semaphore(%run_scoped3A : memref<!tpu.dma_semaphore, #tpu.memory_space<semaphore_mem>>) src(%arg13 : memref<128x128xf32, #tpu.memory_space<vmem>>) dst(%dma_wait3A_61 : memref<128x128xf32, #tpu.memory_space<hbm>>)
      tpu.yield
    }) : () -> ()
    %mul3A_44 = arith.constant 640 : i32
    %mul3A_45 = arith.muli %arg1, %mul3A_44 : i32
    %add3A_46 = arith.constant 384 : i32
    %add3A_47 = arith.addi %mul3A_45, %add3A_46 : i32
    "tpu.region"() ({
      %run_scoped3A = tpu.sem_alloc : memref<!tpu.dma_semaphore, #tpu.memory_space<semaphore_mem>>
      %dma_start3A = arith.constant 0 : i32
      %dma_start3A_52 = tpu.memref_slice %arg12[%add3A_47, %dma_start3A] : memref<10240x128xf32, #tpu.memory_space<vmem_shared>> -> memref<128x128xf32, #tpu.memory_space<vmem_shared>>
      %dma_start3A_53 = arith.constant 0 : i32
      %dma_start3A_54 = tpu.memref_slice %arg12[%add3A_47, %dma_start3A_53] : memref<10240x128xf32, #tpu.memory_space<vmem_shared>> -> memref<128x128xf32, #tpu.memory_space<vmem_shared>>
      tpu.enqueue_dma source(%dma_start3A_54 : memref<128x128xf32, #tpu.memory_space<vmem_shared>>) target(%arg13 : memref<128x128xf32, #tpu.memory_space<vmem>>) target_semaphore(%run_scoped3A : memref<!tpu.dma_semaphore, #tpu.memory_space<semaphore_mem>>)
      %dma_wait3A = arith.constant 0 : i32
      %dma_wait3A_55 = tpu.memref_slice %arg12[%add3A_47, %dma_wait3A] : memref<10240x128xf32, #tpu.memory_space<vmem_shared>> -> memref<128x128xf32, #tpu.memory_space<vmem_shared>>
      %dma_wait3A_56 = arith.constant 0 : i32
      %dma_wait3A_57 = tpu.memref_slice %arg12[%add3A_47, %dma_wait3A_56] : memref<10240x128xf32, #tpu.memory_space<vmem_shared>> -> memref<128x128xf32, #tpu.memory_space<vmem_shared>>
      tpu.wait_dma2 semaphore(%run_scoped3A : memref<!tpu.dma_semaphore, #tpu.memory_space<semaphore_mem>>) src(%dma_wait3A_57 : memref<128x128xf32, #tpu.memory_space<vmem_shared>>) dst(%arg13 : memref<128x128xf32, #tpu.memory_space<vmem>>)
      tpu.yield
    }) : () -> ()
    "tpu.region"() ({
      %run_scoped3A = tpu.sem_alloc : memref<!tpu.dma_semaphore, #tpu.memory_space<semaphore_mem>>
      %dma_start3A = arith.constant 0 : i32
      %dma_start3A_52 = tpu.memref_slice %arg6[%arg0, %add3A_47, %dma_start3A] : memref<2x10240x128xf32, #tpu.memory_space<hbm>> -> memref<1x128x128xf32, #tpu.memory_space<hbm>>
      %dma_start3A_53 = tpu.memref_squeeze %dma_start3A_52 : memref<1x128x128xf32, #tpu.memory_space<hbm>> -> memref<128x128xf32, #tpu.memory_space<hbm>>
      %dma_start3A_54 = arith.constant 0 : i32
      %dma_start3A_55 = tpu.memref_slice %arg6[%arg0, %add3A_47, %dma_start3A_54] : memref<2x10240x128xf32, #tpu.memory_space<hbm>> -> memref<1x128x128xf32, #tpu.memory_space<hbm>>
      %dma_start3A_56 = tpu.memref_squeeze %dma_start3A_55 : memref<1x128x128xf32, #tpu.memory_space<hbm>> -> memref<128x128xf32, #tpu.memory_space<hbm>>
      tpu.enqueue_dma source(%arg13 : memref<128x128xf32, #tpu.memory_space<vmem>>) target(%dma_start3A_56 : memref<128x128xf32, #tpu.memory_space<hbm>>) target_semaphore(%run_scoped3A : memref<!tpu.dma_semaphore, #tpu.memory_space<semaphore_mem>>)
      %dma_wait3A = arith.constant 0 : i32
      %dma_wait3A_57 = tpu.memref_slice %arg6[%arg0, %add3A_47, %dma_wait3A] : memref<2x10240x128xf32, #tpu.memory_space<hbm>> -> memref<1x128x128xf32, #tpu.memory_space<hbm>>
      %dma_wait3A_58 = tpu.memref_squeeze %dma_wait3A_57 : memref<1x128x128xf32, #tpu.memory_space<hbm>> -> memref<128x128xf32, #tpu.memory_space<hbm>>
      %dma_wait3A_59 = arith.constant 0 : i32
      %dma_wait3A_60 = tpu.memref_slice %arg6[%arg0, %add3A_47, %dma_wait3A_59] : memref<2x10240x128xf32, #tpu.memory_space<hbm>> -> memref<1x128x128xf32, #tpu.memory_space<hbm>>
      %dma_wait3A_61 = tpu.memref_squeeze %dma_wait3A_60 : memref<1x128x128xf32, #tpu.memory_space<hbm>> -> memref<128x128xf32, #tpu.memory_space<hbm>>
      tpu.wait_dma2 semaphore(%run_scoped3A : memref<!tpu.dma_semaphore, #tpu.memory_space<semaphore_mem>>) src(%arg13 : memref<128x128xf32, #tpu.memory_space<vmem>>) dst(%dma_wait3A_61 : memref<128x128xf32, #tpu.memory_space<hbm>>)
      tpu.yield
    }) : () -> ()
    %mul3A_48 = arith.constant 640 : i32
    %mul3A_49 = arith.muli %arg1, %mul3A_48 : i32
    %add3A_50 = arith.constant 512 : i32
    %add3A_51 = arith.addi %mul3A_49, %add3A_50 : i32
    "tpu.region"() ({
      %run_scoped3A = tpu.sem_alloc : memref<!tpu.dma_semaphore, #tpu.memory_space<semaphore_mem>>
      %dma_start3A = arith.constant 0 : i32
      %dma_start3A_52 = tpu.memref_slice %arg12[%add3A_51, %dma_start3A] : memref<10240x128xf32, #tpu.memory_space<vmem_shared>> -> memref<128x128xf32, #tpu.memory_space<vmem_shared>>
      %dma_start3A_53 = arith.constant 0 : i32
      %dma_start3A_54 = tpu.memref_slice %arg12[%add3A_51, %dma_start3A_53] : memref<10240x128xf32, #tpu.memory_space<vmem_shared>> -> memref<128x128xf32, #tpu.memory_space<vmem_shared>>
      tpu.enqueue_dma source(%dma_start3A_54 : memref<128x128xf32, #tpu.memory_space<vmem_shared>>) target(%arg13 : memref<128x128xf32, #tpu.memory_space<vmem>>) target_semaphore(%run_scoped3A : memref<!tpu.dma_semaphore, #tpu.memory_space<semaphore_mem>>)
      %dma_wait3A = arith.constant 0 : i32
      %dma_wait3A_55 = tpu.memref_slice %arg12[%add3A_51, %dma_wait3A] : memref<10240x128xf32, #tpu.memory_space<vmem_shared>> -> memref<128x128xf32, #tpu.memory_space<vmem_shared>>
      %dma_wait3A_56 = arith.constant 0 : i32
      %dma_wait3A_57 = tpu.memref_slice %arg12[%add3A_51, %dma_wait3A_56] : memref<10240x128xf32, #tpu.memory_space<vmem_shared>> -> memref<128x128xf32, #tpu.memory_space<vmem_shared>>
      tpu.wait_dma2 semaphore(%run_scoped3A : memref<!tpu.dma_semaphore, #tpu.memory_space<semaphore_mem>>) src(%dma_wait3A_57 : memref<128x128xf32, #tpu.memory_space<vmem_shared>>) dst(%arg13 : memref<128x128xf32, #tpu.memory_space<vmem>>)
      tpu.yield
    }) : () -> ()
    "tpu.region"() ({
      %run_scoped3A = tpu.sem_alloc : memref<!tpu.dma_semaphore, #tpu.memory_space<semaphore_mem>>
      %dma_start3A = arith.constant 0 : i32
      %dma_start3A_52 = tpu.memref_slice %arg6[%arg0, %add3A_51, %dma_start3A] : memref<2x10240x128xf32, #tpu.memory_space<hbm>> -> memref<1x128x128xf32, #tpu.memory_space<hbm>>
      %dma_start3A_53 = tpu.memref_squeeze %dma_start3A_52 : memref<1x128x128xf32, #tpu.memory_space<hbm>> -> memref<128x128xf32, #tpu.memory_space<hbm>>
      %dma_start3A_54 = arith.constant 0 : i32
      %dma_start3A_55 = tpu.memref_slice %arg6[%arg0, %add3A_51, %dma_start3A_54] : memref<2x10240x128xf32, #tpu.memory_space<hbm>> -> memref<1x128x128xf32, #tpu.memory_space<hbm>>
      %dma_start3A_56 = tpu.memref_squeeze %dma_start3A_55 : memref<1x128x128xf32, #tpu.memory_space<hbm>> -> memref<128x128xf32, #tpu.memory_space<hbm>>
      tpu.enqueue_dma source(%arg13 : memref<128x128xf32, #tpu.memory_space<vmem>>) target(%dma_start3A_56 : memref<128x128xf32, #tpu.memory_space<hbm>>) target_semaphore(%run_scoped3A : memref<!tpu.dma_semaphore, #tpu.memory_space<semaphore_mem>>)
      %dma_wait3A = arith.constant 0 : i32
      %dma_wait3A_57 = tpu.memref_slice %arg6[%arg0, %add3A_51, %dma_wait3A] : memref<2x10240x128xf32, #tpu.memory_space<hbm>> -> memref<1x128x128xf32, #tpu.memory_space<hbm>>
      %dma_wait3A_58 = tpu.memref_squeeze %dma_wait3A_57 : memref<1x128x128xf32, #tpu.memory_space<hbm>> -> memref<128x128xf32, #tpu.memory_space<hbm>>
      %dma_wait3A_59 = arith.constant 0 : i32
      %dma_wait3A_60 = tpu.memref_slice %arg6[%arg0, %add3A_51, %dma_wait3A_59] : memref<2x10240x128xf32, #tpu.memory_space<hbm>> -> memref<1x128x128xf32, #tpu.memory_space<hbm>>
      %dma_wait3A_61 = tpu.memref_squeeze %dma_wait3A_60 : memref<1x128x128xf32, #tpu.memory_space<hbm>> -> memref<128x128xf32, #tpu.memory_space<hbm>>
      tpu.wait_dma2 semaphore(%run_scoped3A : memref<!tpu.dma_semaphore, #tpu.memory_space<semaphore_mem>>) src(%arg13 : memref<128x128xf32, #tpu.memory_space<vmem>>) dst(%dma_wait3A_61 : memref<128x128xf32, #tpu.memory_space<hbm>>)
      tpu.yield
    }) : () -> ()
    return
  }
}

#map = affine_map<(d0, d1) -> (0)>
#map1 = affine_map<(d0, d1) -> (0, 0)>
#map2 = affine_map<(d0, d1) -> (0, 0, 0)>
module attributes {stable_mosaic.version = 14 : i64} {
  func.func @_edge_body(%arg0: i32, %arg1: i32, %arg2: memref<320000xi32, #tpu.memory_space<hbm>>, %arg3: memref<320000xi32, #tpu.memory_space<hbm>>, %arg4: memref<10000x128xf32, #tpu.memory_space<hbm>>, %arg5: memref<10000x128xf32, #tpu.memory_space<hbm>>, %arg6: memref<2x10240x128xf32, #tpu.memory_space<hbm>>, %arg7: memref<80xi32, #tpu.memory_space<vmem>>, %arg8: memref<80xi32, #tpu.memory_space<vmem>>, %arg9: memref<80x128xf32, #tpu.memory_space<vmem>>, %arg10: memref<80x128xf32, #tpu.memory_space<vmem>>, %arg11: memref<80x128xf32, #tpu.memory_space<vmem>>, %arg12: memref<10240x128xf32, #tpu.memory_space<vmem_shared>>, %arg13: memref<128x128xf32, #tpu.memory_space<vmem>>, %arg14: memref<!tpu.dma_semaphore, #tpu.memory_space<semaphore_mem>>, %arg15: memref<!tpu.dma_semaphore, #tpu.memory_space<semaphore_mem>>) attributes {dimension_semantics = [#tpu.dimension_semantics<core_parallel>, #tpu.dimension_semantics<subcore_parallel>], iteration_bounds = array<i64: 2, 16>, scalar_prefetch = 0 : i64, scratch_operands = 9 : i64, tpu.core_type = #tpu.core_type<sc_vector_subcore>, window_params = [{transform_indices = #map}, {transform_indices = #map}, {transform_indices = #map1}, {transform_indices = #map1}, {transform_indices = #map2}]} {
    %mul3A = arith.constant 16 : i32
    %mul3A_0 = arith.muli %arg0, %mul3A : i32
    %add3A = arith.addi %mul3A_0, %arg1 : i32
    %broadcast_in_dim3A = arith.constant 0.000000e+00 : f32
    %broadcast_in_dim3A_1 = vector.broadcast %broadcast_in_dim3A : f32 to vector<16xf32>
    %scan3A = arith.constant 0 : i32
    %scan3A_2 = arith.constant 128 : i32
    %scan3A_3 = arith.addi %scan3A, %scan3A_2 : i32
    %scan3A_4 = arith.constant 1 : i32
    scf.for %scan3A_52 = %scan3A to %scan3A_3 step %scan3A_4  : i32 {
      %swap3A = arith.index_cast %scan3A_52 : i32 to index
      %swap3A_53 = arith.constant 0 : index
      %swap3A_54 = tpu.vector_load %arg13[%swap3A, %swap3A_53] {strides = array<i32>} : memref<128x128xf32, #tpu.memory_space<vmem>>, vector<1x16xf32>,
      %swap3A_55 = vector.shape_cast %swap3A_54 : vector<1x16xf32> to vector<16xf32>
      %swap3A_56 = vector.shape_cast %broadcast_in_dim3A_1 : vector<16xf32> to vector<1x16xf32>
      tpu.vector_store %arg13[%swap3A, %swap3A_53], %swap3A_56 {strides = array<i32>} : memref<128x128xf32, #tpu.memory_space<vmem>>, vector<1x16xf32>,
      %swap3A_57 = arith.index_cast %scan3A_52 : i32 to index
      %swap3A_58 = arith.constant 16 : index
      %swap3A_59 = tpu.vector_load %arg13[%swap3A_57, %swap3A_58] {strides = array<i32>} : memref<128x128xf32, #tpu.memory_space<vmem>>, vector<1x16xf32>,
      %swap3A_60 = vector.shape_cast %swap3A_59 : vector<1x16xf32> to vector<16xf32>
      %swap3A_61 = vector.shape_cast %broadcast_in_dim3A_1 : vector<16xf32> to vector<1x16xf32>
      tpu.vector_store %arg13[%swap3A_57, %swap3A_58], %swap3A_61 {strides = array<i32>} : memref<128x128xf32, #tpu.memory_space<vmem>>, vector<1x16xf32>,
      %swap3A_62 = arith.index_cast %scan3A_52 : i32 to index
      %swap3A_63 = arith.constant 32 : index
      %swap3A_64 = tpu.vector_load %arg13[%swap3A_62, %swap3A_63] {strides = array<i32>} : memref<128x128xf32, #tpu.memory_space<vmem>>, vector<1x16xf32>,
      %swap3A_65 = vector.shape_cast %swap3A_64 : vector<1x16xf32> to vector<16xf32>
      %swap3A_66 = vector.shape_cast %broadcast_in_dim3A_1 : vector<16xf32> to vector<1x16xf32>
      tpu.vector_store %arg13[%swap3A_62, %swap3A_63], %swap3A_66 {strides = array<i32>} : memref<128x128xf32, #tpu.memory_space<vmem>>, vector<1x16xf32>,
      %swap3A_67 = arith.index_cast %scan3A_52 : i32 to index
      %swap3A_68 = arith.constant 48 : index
      %swap3A_69 = tpu.vector_load %arg13[%swap3A_67, %swap3A_68] {strides = array<i32>} : memref<128x128xf32, #tpu.memory_space<vmem>>, vector<1x16xf32>,
      %swap3A_70 = vector.shape_cast %swap3A_69 : vector<1x16xf32> to vector<16xf32>
      %swap3A_71 = vector.shape_cast %broadcast_in_dim3A_1 : vector<16xf32> to vector<1x16xf32>
      tpu.vector_store %arg13[%swap3A_67, %swap3A_68], %swap3A_71 {strides = array<i32>} : memref<128x128xf32, #tpu.memory_space<vmem>>, vector<1x16xf32>,
      %swap3A_72 = arith.index_cast %scan3A_52 : i32 to index
      %swap3A_73 = arith.constant 64 : index
      %swap3A_74 = tpu.vector_load %arg13[%swap3A_72, %swap3A_73] {strides = array<i32>} : memref<128x128xf32, #tpu.memory_space<vmem>>, vector<1x16xf32>,
      %swap3A_75 = vector.shape_cast %swap3A_74 : vector<1x16xf32> to vector<16xf32>
      %swap3A_76 = vector.shape_cast %broadcast_in_dim3A_1 : vector<16xf32> to vector<1x16xf32>
      tpu.vector_store %arg13[%swap3A_72, %swap3A_73], %swap3A_76 {strides = array<i32>} : memref<128x128xf32, #tpu.memory_space<vmem>>, vector<1x16xf32>,
      %swap3A_77 = arith.index_cast %scan3A_52 : i32 to index
      %swap3A_78 = arith.constant 80 : index
      %swap3A_79 = tpu.vector_load %arg13[%swap3A_77, %swap3A_78] {strides = array<i32>} : memref<128x128xf32, #tpu.memory_space<vmem>>, vector<1x16xf32>,
      %swap3A_80 = vector.shape_cast %swap3A_79 : vector<1x16xf32> to vector<16xf32>
      %swap3A_81 = vector.shape_cast %broadcast_in_dim3A_1 : vector<16xf32> to vector<1x16xf32>
      tpu.vector_store %arg13[%swap3A_77, %swap3A_78], %swap3A_81 {strides = array<i32>} : memref<128x128xf32, #tpu.memory_space<vmem>>, vector<1x16xf32>,
      %swap3A_82 = arith.index_cast %scan3A_52 : i32 to index
      %swap3A_83 = arith.constant 96 : index
      %swap3A_84 = tpu.vector_load %arg13[%swap3A_82, %swap3A_83] {strides = array<i32>} : memref<128x128xf32, #tpu.memory_space<vmem>>, vector<1x16xf32>,
      %swap3A_85 = vector.shape_cast %swap3A_84 : vector<1x16xf32> to vector<16xf32>
      %swap3A_86 = vector.shape_cast %broadcast_in_dim3A_1 : vector<16xf32> to vector<1x16xf32>
      tpu.vector_store %arg13[%swap3A_82, %swap3A_83], %swap3A_86 {strides = array<i32>} : memref<128x128xf32, #tpu.memory_space<vmem>>, vector<1x16xf32>,
      %swap3A_87 = arith.index_cast %scan3A_52 : i32 to index
      %swap3A_88 = arith.constant 112 : index
      %swap3A_89 = tpu.vector_load %arg13[%swap3A_87, %swap3A_88] {strides = array<i32>} : memref<128x128xf32, #tpu.memory_space<vmem>>, vector<1x16xf32>,
      %swap3A_90 = vector.shape_cast %swap3A_89 : vector<1x16xf32> to vector<16xf32>
      %swap3A_91 = vector.shape_cast %broadcast_in_dim3A_1 : vector<16xf32> to vector<1x16xf32>
      tpu.vector_store %arg13[%swap3A_87, %swap3A_88], %swap3A_91 {strides = array<i32>} : memref<128x128xf32, #tpu.memory_space<vmem>>, vector<1x16xf32>,
    }
    %scan3A_5 = arith.constant 128 : i32
    %mul3A_6 = arith.constant 640 : i32
    %mul3A_7 = arith.muli %arg1, %mul3A_6 : i32
    %add3A_8 = arith.constant 0 : i32
    %add3A_9 = arith.addi %mul3A_7, %add3A_8 : i32
    "tpu.region"() ({
      %run_scoped3A = tpu.sem_alloc : memref<!tpu.dma_semaphore, #tpu.memory_space<semaphore_mem>>
      %dma_start3A = arith.constant 0 : i32
      %dma_start3A_52 = tpu.memref_slice %arg12[%add3A_9, %dma_start3A] : memref<10240x128xf32, #tpu.memory_space<vmem_shared>> -> memref<128x128xf32, #tpu.memory_space<vmem_shared>>
      %dma_start3A_53 = arith.constant 0 : i32
      %dma_start3A_54 = tpu.memref_slice %arg12[%add3A_9, %dma_start3A_53] : memref<10240x128xf32, #tpu.memory_space<vmem_shared>> -> memref<128x128xf32, #tpu.memory_space<vmem_shared>>
      tpu.enqueue_dma source(%arg13 : memref<128x128xf32, #tpu.memory_space<vmem>>) target(%dma_start3A_54 : memref<128x128xf32, #tpu.memory_space<vmem_shared>>) target_semaphore(%run_scoped3A : memref<!tpu.dma_semaphore, #tpu.memory_space<semaphore_mem>>)
      %dma_wait3A = arith.constant 0 : i32
      %dma_wait3A_55 = tpu.memref_slice %arg12[%add3A_9, %dma_wait3A] : memref<10240x128xf32, #tpu.memory_space<vmem_shared>> -> memref<128x128xf32, #tpu.memory_space<vmem_shared>>
      %dma_wait3A_56 = arith.constant 0 : i32
      %dma_wait3A_57 = tpu.memref_slice %arg12[%add3A_9, %dma_wait3A_56] : memref<10240x128xf32, #tpu.memory_space<vmem_shared>> -> memref<128x128xf32, #tpu.memory_space<vmem_shared>>
      tpu.wait_dma2 semaphore(%run_scoped3A : memref<!tpu.dma_semaphore, #tpu.memory_space<semaphore_mem>>) src(%arg13 : memref<128x128xf32, #tpu.memory_space<vmem>>) dst(%dma_wait3A_57 : memref<128x128xf32, #tpu.memory_space<vmem_shared>>)
      tpu.yield
    }) : () -> ()
    %mul3A_10 = arith.constant 640 : i32
    %mul3A_11 = arith.muli %arg1, %mul3A_10 : i32
    %add3A_12 = arith.constant 128 : i32
    %add3A_13 = arith.addi %mul3A_11, %add3A_12 : i32
    "tpu.region"() ({
      %run_scoped3A = tpu.sem_alloc : memref<!tpu.dma_semaphore, #tpu.memory_space<semaphore_mem>>
      %dma_start3A = arith.constant 0 : i32
      %dma_start3A_52 = tpu.memref_slice %arg12[%add3A_13, %dma_start3A] : memref<10240x128xf32, #tpu.memory_space<vmem_shared>> -> memref<128x128xf32, #tpu.memory_space<vmem_shared>>
      %dma_start3A_53 = arith.constant 0 : i32
      %dma_start3A_54 = tpu.memref_slice %arg12[%add3A_13, %dma_start3A_53] : memref<10240x128xf32, #tpu.memory_space<vmem_shared>> -> memref<128x128xf32, #tpu.memory_space<vmem_shared>>
      tpu.enqueue_dma source(%arg13 : memref<128x128xf32, #tpu.memory_space<vmem>>) target(%dma_start3A_54 : memref<128x128xf32, #tpu.memory_space<vmem_shared>>) target_semaphore(%run_scoped3A : memref<!tpu.dma_semaphore, #tpu.memory_space<semaphore_mem>>)
      %dma_wait3A = arith.constant 0 : i32
      %dma_wait3A_55 = tpu.memref_slice %arg12[%add3A_13, %dma_wait3A] : memref<10240x128xf32, #tpu.memory_space<vmem_shared>> -> memref<128x128xf32, #tpu.memory_space<vmem_shared>>
      %dma_wait3A_56 = arith.constant 0 : i32
      %dma_wait3A_57 = tpu.memref_slice %arg12[%add3A_13, %dma_wait3A_56] : memref<10240x128xf32, #tpu.memory_space<vmem_shared>> -> memref<128x128xf32, #tpu.memory_space<vmem_shared>>
      tpu.wait_dma2 semaphore(%run_scoped3A : memref<!tpu.dma_semaphore, #tpu.memory_space<semaphore_mem>>) src(%arg13 : memref<128x128xf32, #tpu.memory_space<vmem>>) dst(%dma_wait3A_57 : memref<128x128xf32, #tpu.memory_space<vmem_shared>>)
      tpu.yield
    }) : () -> ()
    %mul3A_14 = arith.constant 640 : i32
    %mul3A_15 = arith.muli %arg1, %mul3A_14 : i32
    %add3A_16 = arith.constant 256 : i32
    %add3A_17 = arith.addi %mul3A_15, %add3A_16 : i32
    "tpu.region"() ({
      %run_scoped3A = tpu.sem_alloc : memref<!tpu.dma_semaphore, #tpu.memory_space<semaphore_mem>>
      %dma_start3A = arith.constant 0 : i32
      %dma_start3A_52 = tpu.memref_slice %arg12[%add3A_17, %dma_start3A] : memref<10240x128xf32, #tpu.memory_space<vmem_shared>> -> memref<128x128xf32, #tpu.memory_space<vmem_shared>>
      %dma_start3A_53 = arith.constant 0 : i32
      %dma_start3A_54 = tpu.memref_slice %arg12[%add3A_17, %dma_start3A_53] : memref<10240x128xf32, #tpu.memory_space<vmem_shared>> -> memref<128x128xf32, #tpu.memory_space<vmem_shared>>
      tpu.enqueue_dma source(%arg13 : memref<128x128xf32, #tpu.memory_space<vmem>>) target(%dma_start3A_54 : memref<128x128xf32, #tpu.memory_space<vmem_shared>>) target_semaphore(%run_scoped3A : memref<!tpu.dma_semaphore, #tpu.memory_space<semaphore_mem>>)
      %dma_wait3A = arith.constant 0 : i32
      %dma_wait3A_55 = tpu.memref_slice %arg12[%add3A_17, %dma_wait3A] : memref<10240x128xf32, #tpu.memory_space<vmem_shared>> -> memref<128x128xf32, #tpu.memory_space<vmem_shared>>
      %dma_wait3A_56 = arith.constant 0 : i32
      %dma_wait3A_57 = tpu.memref_slice %arg12[%add3A_17, %dma_wait3A_56] : memref<10240x128xf32, #tpu.memory_space<vmem_shared>> -> memref<128x128xf32, #tpu.memory_space<vmem_shared>>
      tpu.wait_dma2 semaphore(%run_scoped3A : memref<!tpu.dma_semaphore, #tpu.memory_space<semaphore_mem>>) src(%arg13 : memref<128x128xf32, #tpu.memory_space<vmem>>) dst(%dma_wait3A_57 : memref<128x128xf32, #tpu.memory_space<vmem_shared>>)
      tpu.yield
    }) : () -> ()
    %mul3A_18 = arith.constant 640 : i32
    %mul3A_19 = arith.muli %arg1, %mul3A_18 : i32
    %add3A_20 = arith.constant 384 : i32
    %add3A_21 = arith.addi %mul3A_19, %add3A_20 : i32
    "tpu.region"() ({
      %run_scoped3A = tpu.sem_alloc : memref<!tpu.dma_semaphore, #tpu.memory_space<semaphore_mem>>
      %dma_start3A = arith.constant 0 : i32
      %dma_start3A_52 = tpu.memref_slice %arg12[%add3A_21, %dma_start3A] : memref<10240x128xf32, #tpu.memory_space<vmem_shared>> -> memref<128x128xf32, #tpu.memory_space<vmem_shared>>
      %dma_start3A_53 = arith.constant 0 : i32
      %dma_start3A_54 = tpu.memref_slice %arg12[%add3A_21, %dma_start3A_53] : memref<10240x128xf32, #tpu.memory_space<vmem_shared>> -> memref<128x128xf32, #tpu.memory_space<vmem_shared>>
      tpu.enqueue_dma source(%arg13 : memref<128x128xf32, #tpu.memory_space<vmem>>) target(%dma_start3A_54 : memref<128x128xf32, #tpu.memory_space<vmem_shared>>) target_semaphore(%run_scoped3A : memref<!tpu.dma_semaphore, #tpu.memory_space<semaphore_mem>>)
      %dma_wait3A = arith.constant 0 : i32
      %dma_wait3A_55 = tpu.memref_slice %arg12[%add3A_21, %dma_wait3A] : memref<10240x128xf32, #tpu.memory_space<vmem_shared>> -> memref<128x128xf32, #tpu.memory_space<vmem_shared>>
      %dma_wait3A_56 = arith.constant 0 : i32
      %dma_wait3A_57 = tpu.memref_slice %arg12[%add3A_21, %dma_wait3A_56] : memref<10240x128xf32, #tpu.memory_space<vmem_shared>> -> memref<128x128xf32, #tpu.memory_space<vmem_shared>>
      tpu.wait_dma2 semaphore(%run_scoped3A : memref<!tpu.dma_semaphore, #tpu.memory_space<semaphore_mem>>) src(%arg13 : memref<128x128xf32, #tpu.memory_space<vmem>>) dst(%dma_wait3A_57 : memref<128x128xf32, #tpu.memory_space<vmem_shared>>)
      tpu.yield
    }) : () -> ()
    %mul3A_22 = arith.constant 640 : i32
    %mul3A_23 = arith.muli %arg1, %mul3A_22 : i32
    %add3A_24 = arith.constant 512 : i32
    %add3A_25 = arith.addi %mul3A_23, %add3A_24 : i32
    "tpu.region"() ({
      %run_scoped3A = tpu.sem_alloc : memref<!tpu.dma_semaphore, #tpu.memory_space<semaphore_mem>>
      %dma_start3A = arith.constant 0 : i32
      %dma_start3A_52 = tpu.memref_slice %arg12[%add3A_25, %dma_start3A] : memref<10240x128xf32, #tpu.memory_space<vmem_shared>> -> memref<128x128xf32, #tpu.memory_space<vmem_shared>>
      %dma_start3A_53 = arith.constant 0 : i32
      %dma_start3A_54 = tpu.memref_slice %arg12[%add3A_25, %dma_start3A_53] : memref<10240x128xf32, #tpu.memory_space<vmem_shared>> -> memref<128x128xf32, #tpu.memory_space<vmem_shared>>
      tpu.enqueue_dma source(%arg13 : memref<128x128xf32, #tpu.memory_space<vmem>>) target(%dma_start3A_54 : memref<128x128xf32, #tpu.memory_space<vmem_shared>>) target_semaphore(%run_scoped3A : memref<!tpu.dma_semaphore, #tpu.memory_space<semaphore_mem>>)
      %dma_wait3A = arith.constant 0 : i32
      %dma_wait3A_55 = tpu.memref_slice %arg12[%add3A_25, %dma_wait3A] : memref<10240x128xf32, #tpu.memory_space<vmem_shared>> -> memref<128x128xf32, #tpu.memory_space<vmem_shared>>
      %dma_wait3A_56 = arith.constant 0 : i32
      %dma_wait3A_57 = tpu.memref_slice %arg12[%add3A_25, %dma_wait3A_56] : memref<10240x128xf32, #tpu.memory_space<vmem_shared>> -> memref<128x128xf32, #tpu.memory_space<vmem_shared>>
      tpu.wait_dma2 semaphore(%run_scoped3A : memref<!tpu.dma_semaphore, #tpu.memory_space<semaphore_mem>>) src(%arg13 : memref<128x128xf32, #tpu.memory_space<vmem>>) dst(%dma_wait3A_57 : memref<128x128xf32, #tpu.memory_space<vmem_shared>>)
      tpu.yield
    }) : () -> ()
    %barrier3A = arith.constant 0 : index
    tpu.barrier barrier_id(%barrier3A)
    %scan3A_26 = arith.constant 0 : i32
    %scan3A_27 = arith.constant 125 : i32
    %scan3A_28 = arith.addi %scan3A_26, %scan3A_27 : i32
    %scan3A_29 = arith.constant 1 : i32
    scf.for %scan3A_52 = %scan3A_26 to %scan3A_28 step %scan3A_29  : i32 {
      %mul3A_53 = arith.constant 10000 : i32
      %mul3A_54 = arith.muli %add3A, %mul3A_53 : i32
      %mul3A_55 = arith.constant 80 : i32
      %mul3A_56 = arith.muli %scan3A_52, %mul3A_55 : i32
      %add3A_57 = arith.addi %mul3A_54, %mul3A_56 : i32
      "tpu.region"() ({
        %run_scoped3A = tpu.sem_alloc : memref<!tpu.dma_semaphore, #tpu.memory_space<semaphore_mem>>
        %dma_start3A_73 = tpu.memref_slice %arg2[%add3A_57] : memref<320000xi32, #tpu.memory_space<hbm>> -> memref<80xi32, #tpu.memory_space<hbm>>
        %dma_start3A_74 = tpu.memref_slice %arg2[%add3A_57] : memref<320000xi32, #tpu.memory_space<hbm>> -> memref<80xi32, #tpu.memory_space<hbm>>
        tpu.enqueue_dma source(%dma_start3A_74 : memref<80xi32, #tpu.memory_space<hbm>>) target(%arg7 : memref<80xi32, #tpu.memory_space<vmem>>) target_semaphore(%run_scoped3A : memref<!tpu.dma_semaphore, #tpu.memory_space<semaphore_mem>>)
        %dma_wait3A_75 = tpu.memref_slice %arg2[%add3A_57] : memref<320000xi32, #tpu.memory_space<hbm>> -> memref<80xi32, #tpu.memory_space<hbm>>
        %dma_wait3A_76 = tpu.memref_slice %arg2[%add3A_57] : memref<320000xi32, #tpu.memory_space<hbm>> -> memref<80xi32, #tpu.memory_space<hbm>>
        tpu.wait_dma2 semaphore(%run_scoped3A : memref<!tpu.dma_semaphore, #tpu.memory_space<semaphore_mem>>) src(%dma_wait3A_76 : memref<80xi32, #tpu.memory_space<hbm>>) dst(%arg7 : memref<80xi32, #tpu.memory_space<vmem>>)
        tpu.yield
      }) : () -> ()
      "tpu.region"() ({
        %run_scoped3A = tpu.sem_alloc : memref<!tpu.dma_semaphore, #tpu.memory_space<semaphore_mem>>
        %dma_start3A_73 = tpu.memref_slice %arg3[%add3A_57] : memref<320000xi32, #tpu.memory_space<hbm>> -> memref<80xi32, #tpu.memory_space<hbm>>
        %dma_start3A_74 = tpu.memref_slice %arg3[%add3A_57] : memref<320000xi32, #tpu.memory_space<hbm>> -> memref<80xi32, #tpu.memory_space<hbm>>
        tpu.enqueue_dma source(%dma_start3A_74 : memref<80xi32, #tpu.memory_space<hbm>>) target(%arg8 : memref<80xi32, #tpu.memory_space<vmem>>) target_semaphore(%run_scoped3A : memref<!tpu.dma_semaphore, #tpu.memory_space<semaphore_mem>>)
        %dma_wait3A_75 = tpu.memref_slice %arg3[%add3A_57] : memref<320000xi32, #tpu.memory_space<hbm>> -> memref<80xi32, #tpu.memory_space<hbm>>
        %dma_wait3A_76 = tpu.memref_slice %arg3[%add3A_57] : memref<320000xi32, #tpu.memory_space<hbm>> -> memref<80xi32, #tpu.memory_space<hbm>>
        tpu.wait_dma2 semaphore(%run_scoped3A : memref<!tpu.dma_semaphore, #tpu.memory_space<semaphore_mem>>) src(%dma_wait3A_76 : memref<80xi32, #tpu.memory_space<hbm>>) dst(%arg8 : memref<80xi32, #tpu.memory_space<vmem>>)
        tpu.yield
      }) : () -> ()
      %dma_start3A = arith.constant 0 : i32
      %dma_start3A_58 = arith.constant 0 : i32
      %dma_start3A_59 = tpu.memref_slice %arg4[%dma_start3A, %dma_start3A_58] : memref<10000x128xf32, #tpu.memory_space<hbm>> -> memref<10000x128xf32, #tpu.memory_space<hbm>>
      tpu.enqueue_indirect_dma source(%dma_start3A_59 : memref<10000x128xf32, #tpu.memory_space<hbm>>) target(%arg9 : memref<80x128xf32, #tpu.memory_space<vmem>>) offsets(%arg7 : memref<80xi32, #tpu.memory_space<vmem>>) semaphore(%arg14 : memref<!tpu.dma_semaphore, #tpu.memory_space<semaphore_mem>>)
      %dma_start3A_60 = arith.constant 0 : i32
      %dma_start3A_61 = arith.constant 0 : i32
      %dma_start3A_62 = tpu.memref_slice %arg5[%dma_start3A_60, %dma_start3A_61] : memref<10000x128xf32, #tpu.memory_space<hbm>> -> memref<10000x128xf32, #tpu.memory_space<hbm>>
      tpu.enqueue_indirect_dma source(%dma_start3A_62 : memref<10000x128xf32, #tpu.memory_space<hbm>>) target(%arg10 : memref<80x128xf32, #tpu.memory_space<vmem>>) offsets(%arg8 : memref<80xi32, #tpu.memory_space<vmem>>) semaphore(%arg15 : memref<!tpu.dma_semaphore, #tpu.memory_space<semaphore_mem>>)
      %dma_wait3A = arith.constant 0 : i32
      %dma_wait3A_63 = arith.constant 0 : i32
      %dma_wait3A_64 = tpu.memref_slice %arg4[%dma_wait3A, %dma_wait3A_63] : memref<10000x128xf32, #tpu.memory_space<hbm>> -> memref<10000x128xf32, #tpu.memory_space<hbm>>
      tpu.wait_indirect_dma semaphore(%arg14 : memref<!tpu.dma_semaphore, #tpu.memory_space<semaphore_mem>>) src(%dma_wait3A_64 : memref<10000x128xf32, #tpu.memory_space<hbm>>) dst(%arg9 : memref<80x128xf32, #tpu.memory_space<vmem>>)
      %dma_wait3A_65 = arith.constant 0 : i32
      %dma_wait3A_66 = arith.constant 0 : i32
      %dma_wait3A_67 = tpu.memref_slice %arg5[%dma_wait3A_65, %dma_wait3A_66] : memref<10000x128xf32, #tpu.memory_space<hbm>> -> memref<10000x128xf32, #tpu.memory_space<hbm>>
      tpu.wait_indirect_dma semaphore(%arg15 : memref<!tpu.dma_semaphore, #tpu.memory_space<semaphore_mem>>) src(%dma_wait3A_67 : memref<10000x128xf32, #tpu.memory_space<hbm>>) dst(%arg10 : memref<80x128xf32, #tpu.memory_space<vmem>>)
      %scan3A_68 = arith.constant 0 : i32
      %scan3A_69 = arith.constant 80 : i32
      %scan3A_70 = arith.addi %scan3A_68, %scan3A_69 : i32
      %scan3A_71 = arith.constant 1 : i32
      scf.for %scan3A_73 = %scan3A_68 to %scan3A_70 step %scan3A_71  : i32 {
        %get3A = arith.index_cast %scan3A_73 : i32 to index
        %get3A_74 = arith.constant 0 : index
        %get3A_75 = tpu.vector_load %arg9[%get3A, %get3A_74] {strides = array<i32>} : memref<80x128xf32, #tpu.memory_space<vmem>>, vector<1x16xf32>,
        %get3A_76 = vector.shape_cast %get3A_75 : vector<1x16xf32> to vector<16xf32>
        %get3A_77 = arith.index_cast %scan3A_73 : i32 to index
        %get3A_78 = arith.constant 64 : index
        %get3A_79 = tpu.vector_load %arg9[%get3A_77, %get3A_78] {strides = array<i32>} : memref<80x128xf32, #tpu.memory_space<vmem>>, vector<1x16xf32>,
        %get3A_80 = vector.shape_cast %get3A_79 : vector<1x16xf32> to vector<16xf32>
        %get3A_81 = arith.index_cast %scan3A_73 : i32 to index
        %get3A_82 = arith.constant 0 : index
        %get3A_83 = tpu.vector_load %arg10[%get3A_81, %get3A_82] {strides = array<i32>} : memref<80x128xf32, #tpu.memory_space<vmem>>, vector<1x16xf32>,
        %get3A_84 = vector.shape_cast %get3A_83 : vector<1x16xf32> to vector<16xf32>
        %add3A_85 = arith.addf %get3A_76, %get3A_84 : vector<16xf32>
        %gt3A = arith.constant 0.000000e+00 : f32
        %gt3A_86 = vector.broadcast %gt3A : f32 to vector<16xf32>
        %gt3A_87 = arith.cmpf ogt, %add3A_85, %gt3A_86 : vector<16xf32>
        %mul3A_88 = arith.constant 2.000000e-01 : f32
        %mul3A_89 = vector.broadcast %mul3A_88 : f32 to vector<16xf32>
        %mul3A_90 = arith.mulf %mul3A_89, %add3A_85 : vector<16xf32>
        %select_n3A = arith.select %gt3A_87, %add3A_85, %mul3A_90 : vector<16xi1>, vector<16xf32>
        %exp3A = math.exp %select_n3A : vector<16xf32>
        %swap3A = arith.index_cast %scan3A_73 : i32 to index
        %swap3A_91 = arith.constant 0 : index
        %swap3A_92 = tpu.vector_load %arg11[%swap3A, %swap3A_91] {strides = array<i32>} : memref<80x128xf32, #tpu.memory_space<vmem>>, vector<1x16xf32>,
        %swap3A_93 = vector.shape_cast %swap3A_92 : vector<1x16xf32> to vector<16xf32>
        %swap3A_94 = vector.shape_cast %exp3A : vector<16xf32> to vector<1x16xf32>
        tpu.vector_store %arg11[%swap3A, %swap3A_91], %swap3A_94 {strides = array<i32>} : memref<80x128xf32, #tpu.memory_space<vmem>>, vector<1x16xf32>,
        %mul3A_95 = arith.mulf %exp3A, %get3A_80 : vector<16xf32>
        %swap3A_96 = arith.index_cast %scan3A_73 : i32 to index
        %swap3A_97 = arith.constant 64 : index
        %swap3A_98 = tpu.vector_load %arg11[%swap3A_96, %swap3A_97] {strides = array<i32>} : memref<80x128xf32, #tpu.memory_space<vmem>>, vector<1x16xf32>,
        %swap3A_99 = vector.shape_cast %swap3A_98 : vector<1x16xf32> to vector<16xf32>
        %swap3A_100 = vector.shape_cast %mul3A_95 : vector<16xf32> to vector<1x16xf32>
        tpu.vector_store %arg11[%swap3A_96, %swap3A_97], %swap3A_100 {strides = array<i32>} : memref<80x128xf32, #tpu.memory_space<vmem>>, vector<1x16xf32>,
        %get3A_101 = arith.index_cast %scan3A_73 : i32 to index
        %get3A_102 = arith.constant 16 : index
        %get3A_103 = tpu.vector_load %arg9[%get3A_101, %get3A_102] {strides = array<i32>} : memref<80x128xf32, #tpu.memory_space<vmem>>, vector<1x16xf32>,
        %get3A_104 = vector.shape_cast %get3A_103 : vector<1x16xf32> to vector<16xf32>
        %get3A_105 = arith.index_cast %scan3A_73 : i32 to index
        %get3A_106 = arith.constant 80 : index
        %get3A_107 = tpu.vector_load %arg9[%get3A_105, %get3A_106] {strides = array<i32>} : memref<80x128xf32, #tpu.memory_space<vmem>>, vector<1x16xf32>,
        %get3A_108 = vector.shape_cast %get3A_107 : vector<1x16xf32> to vector<16xf32>
        %get3A_109 = arith.index_cast %scan3A_73 : i32 to index
        %get3A_110 = arith.constant 16 : index
        %get3A_111 = tpu.vector_load %arg10[%get3A_109, %get3A_110] {strides = array<i32>} : memref<80x128xf32, #tpu.memory_space<vmem>>, vector<1x16xf32>,
        %get3A_112 = vector.shape_cast %get3A_111 : vector<1x16xf32> to vector<16xf32>
        %add3A_113 = arith.addf %get3A_104, %get3A_112 : vector<16xf32>
        %gt3A_114 = arith.constant 0.000000e+00 : f32
        %gt3A_115 = vector.broadcast %gt3A_114 : f32 to vector<16xf32>
        %gt3A_116 = arith.cmpf ogt, %add3A_113, %gt3A_115 : vector<16xf32>
        %mul3A_117 = arith.constant 2.000000e-01 : f32
        %mul3A_118 = vector.broadcast %mul3A_117 : f32 to vector<16xf32>
        %mul3A_119 = arith.mulf %mul3A_118, %add3A_113 : vector<16xf32>
        %select_n3A_120 = arith.select %gt3A_116, %add3A_113, %mul3A_119 : vector<16xi1>, vector<16xf32>
        %exp3A_121 = math.exp %select_n3A_120 : vector<16xf32>
        %swap3A_122 = arith.index_cast %scan3A_73 : i32 to index
        %swap3A_123 = arith.constant 16 : index
        %swap3A_124 = tpu.vector_load %arg11[%swap3A_122, %swap3A_123] {strides = array<i32>} : memref<80x128xf32, #tpu.memory_space<vmem>>, vector<1x16xf32>,
        %swap3A_125 = vector.shape_cast %swap3A_124 : vector<1x16xf32> to vector<16xf32>
        %swap3A_126 = vector.shape_cast %exp3A_121 : vector<16xf32> to vector<1x16xf32>
        tpu.vector_store %arg11[%swap3A_122, %swap3A_123], %swap3A_126 {strides = array<i32>} : memref<80x128xf32, #tpu.memory_space<vmem>>, vector<1x16xf32>,
        %mul3A_127 = arith.mulf %exp3A_121, %get3A_108 : vector<16xf32>
        %swap3A_128 = arith.index_cast %scan3A_73 : i32 to index
        %swap3A_129 = arith.constant 80 : index
        %swap3A_130 = tpu.vector_load %arg11[%swap3A_128, %swap3A_129] {strides = array<i32>} : memref<80x128xf32, #tpu.memory_space<vmem>>, vector<1x16xf32>,
        %swap3A_131 = vector.shape_cast %swap3A_130 : vector<1x16xf32> to vector<16xf32>
        %swap3A_132 = vector.shape_cast %mul3A_127 : vector<16xf32> to vector<1x16xf32>
        tpu.vector_store %arg11[%swap3A_128, %swap3A_129], %swap3A_132 {strides = array<i32>} : memref<80x128xf32, #tpu.memory_space<vmem>>, vector<1x16xf32>,
        %get3A_133 = arith.index_cast %scan3A_73 : i32 to index
        %get3A_134 = arith.constant 32 : index
        %get3A_135 = tpu.vector_load %arg9[%get3A_133, %get3A_134] {strides = array<i32>} : memref<80x128xf32, #tpu.memory_space<vmem>>, vector<1x16xf32>,
        %get3A_136 = vector.shape_cast %get3A_135 : vector<1x16xf32> to vector<16xf32>
        %get3A_137 = arith.index_cast %scan3A_73 : i32 to index
        %get3A_138 = arith.constant 96 : index
        %get3A_139 = tpu.vector_load %arg9[%get3A_137, %get3A_138] {strides = array<i32>} : memref<80x128xf32, #tpu.memory_space<vmem>>, vector<1x16xf32>,
        %get3A_140 = vector.shape_cast %get3A_139 : vector<1x16xf32> to vector<16xf32>
        %get3A_141 = arith.index_cast %scan3A_73 : i32 to index
        %get3A_142 = arith.constant 32 : index
        %get3A_143 = tpu.vector_load %arg10[%get3A_141, %get3A_142] {strides = array<i32>} : memref<80x128xf32, #tpu.memory_space<vmem>>, vector<1x16xf32>,
        %get3A_144 = vector.shape_cast %get3A_143 : vector<1x16xf32> to vector<16xf32>
        %add3A_145 = arith.addf %get3A_136, %get3A_144 : vector<16xf32>
        %gt3A_146 = arith.constant 0.000000e+00 : f32
        %gt3A_147 = vector.broadcast %gt3A_146 : f32 to vector<16xf32>
        %gt3A_148 = arith.cmpf ogt, %add3A_145, %gt3A_147 : vector<16xf32>
        %mul3A_149 = arith.constant 2.000000e-01 : f32
        %mul3A_150 = vector.broadcast %mul3A_149 : f32 to vector<16xf32>
        %mul3A_151 = arith.mulf %mul3A_150, %add3A_145 : vector<16xf32>
        %select_n3A_152 = arith.select %gt3A_148, %add3A_145, %mul3A_151 : vector<16xi1>, vector<16xf32>
        %exp3A_153 = math.exp %select_n3A_152 : vector<16xf32>
        %swap3A_154 = arith.index_cast %scan3A_73 : i32 to index
        %swap3A_155 = arith.constant 32 : index
        %swap3A_156 = tpu.vector_load %arg11[%swap3A_154, %swap3A_155] {strides = array<i32>} : memref<80x128xf32, #tpu.memory_space<vmem>>, vector<1x16xf32>,
        %swap3A_157 = vector.shape_cast %swap3A_156 : vector<1x16xf32> to vector<16xf32>
        %swap3A_158 = vector.shape_cast %exp3A_153 : vector<16xf32> to vector<1x16xf32>
        tpu.vector_store %arg11[%swap3A_154, %swap3A_155], %swap3A_158 {strides = array<i32>} : memref<80x128xf32, #tpu.memory_space<vmem>>, vector<1x16xf32>,
        %mul3A_159 = arith.mulf %exp3A_153, %get3A_140 : vector<16xf32>
        %swap3A_160 = arith.index_cast %scan3A_73 : i32 to index
        %swap3A_161 = arith.constant 96 : index
        %swap3A_162 = tpu.vector_load %arg11[%swap3A_160, %swap3A_161] {strides = array<i32>} : memref<80x128xf32, #tpu.memory_space<vmem>>, vector<1x16xf32>,
        %swap3A_163 = vector.shape_cast %swap3A_162 : vector<1x16xf32> to vector<16xf32>
        %swap3A_164 = vector.shape_cast %mul3A_159 : vector<16xf32> to vector<1x16xf32>
        tpu.vector_store %arg11[%swap3A_160, %swap3A_161], %swap3A_164 {strides = array<i32>} : memref<80x128xf32, #tpu.memory_space<vmem>>, vector<1x16xf32>,
        %get3A_165 = arith.index_cast %scan3A_73 : i32 to index
        %get3A_166 = arith.constant 48 : index
        %get3A_167 = tpu.vector_load %arg9[%get3A_165, %get3A_166] {strides = array<i32>} : memref<80x128xf32, #tpu.memory_space<vmem>>, vector<1x16xf32>,
        %get3A_168 = vector.shape_cast %get3A_167 : vector<1x16xf32> to vector<16xf32>
        %get3A_169 = arith.index_cast %scan3A_73 : i32 to index
        %get3A_170 = arith.constant 112 : index
        %get3A_171 = tpu.vector_load %arg9[%get3A_169, %get3A_170] {strides = array<i32>} : memref<80x128xf32, #tpu.memory_space<vmem>>, vector<1x16xf32>,
        %get3A_172 = vector.shape_cast %get3A_171 : vector<1x16xf32> to vector<16xf32>
        %get3A_173 = arith.index_cast %scan3A_73 : i32 to index
        %get3A_174 = arith.constant 48 : index
        %get3A_175 = tpu.vector_load %arg10[%get3A_173, %get3A_174] {strides = array<i32>} : memref<80x128xf32, #tpu.memory_space<vmem>>, vector<1x16xf32>,
        %get3A_176 = vector.shape_cast %get3A_175 : vector<1x16xf32> to vector<16xf32>
        %add3A_177 = arith.addf %get3A_168, %get3A_176 : vector<16xf32>
        %gt3A_178 = arith.constant 0.000000e+00 : f32
        %gt3A_179 = vector.broadcast %gt3A_178 : f32 to vector<16xf32>
        %gt3A_180 = arith.cmpf ogt, %add3A_177, %gt3A_179 : vector<16xf32>
        %mul3A_181 = arith.constant 2.000000e-01 : f32
        %mul3A_182 = vector.broadcast %mul3A_181 : f32 to vector<16xf32>
        %mul3A_183 = arith.mulf %mul3A_182, %add3A_177 : vector<16xf32>
        %select_n3A_184 = arith.select %gt3A_180, %add3A_177, %mul3A_183 : vector<16xi1>, vector<16xf32>
        %exp3A_185 = math.exp %select_n3A_184 : vector<16xf32>
        %swap3A_186 = arith.index_cast %scan3A_73 : i32 to index
        %swap3A_187 = arith.constant 48 : index
        %swap3A_188 = tpu.vector_load %arg11[%swap3A_186, %swap3A_187] {strides = array<i32>} : memref<80x128xf32, #tpu.memory_space<vmem>>, vector<1x16xf32>,
        %swap3A_189 = vector.shape_cast %swap3A_188 : vector<1x16xf32> to vector<16xf32>
        %swap3A_190 = vector.shape_cast %exp3A_185 : vector<16xf32> to vector<1x16xf32>
        tpu.vector_store %arg11[%swap3A_186, %swap3A_187], %swap3A_190 {strides = array<i32>} : memref<80x128xf32, #tpu.memory_space<vmem>>, vector<1x16xf32>,
        %mul3A_191 = arith.mulf %exp3A_185, %get3A_172 : vector<16xf32>
        %swap3A_192 = arith.index_cast %scan3A_73 : i32 to index
        %swap3A_193 = arith.constant 112 : index
        %swap3A_194 = tpu.vector_load %arg11[%swap3A_192, %swap3A_193] {strides = array<i32>} : memref<80x128xf32, #tpu.memory_space<vmem>>, vector<1x16xf32>,
        %swap3A_195 = vector.shape_cast %swap3A_194 : vector<1x16xf32> to vector<16xf32>
        %swap3A_196 = vector.shape_cast %mul3A_191 : vector<16xf32> to vector<1x16xf32>
        tpu.vector_store %arg11[%swap3A_192, %swap3A_193], %swap3A_196 {strides = array<i32>} : memref<80x128xf32, #tpu.memory_space<vmem>>, vector<1x16xf32>,
      }
      %scan3A_72 = arith.constant 80 : i32
      "tpu.region"() ({
        %run_scoped3A = tpu.sem_alloc : memref<!tpu.dma_semaphore, #tpu.memory_space<semaphore_mem>>
        %dma_start3A_73 = arith.constant 0 : i32
        %dma_start3A_74 = arith.constant 0 : i32
        %dma_start3A_75 = tpu.memref_slice %arg12[%dma_start3A_73, %dma_start3A_74] : memref<10240x128xf32, #tpu.memory_space<vmem_shared>> -> memref<10240x128xf32, #tpu.memory_space<vmem_shared>>
        tpu.enqueue_indirect_dma source(%arg11 : memref<80x128xf32, #tpu.memory_space<vmem>>) target(%dma_start3A_75 : memref<10240x128xf32, #tpu.memory_space<vmem_shared>>) offsets(%arg8 : memref<80xi32, #tpu.memory_space<vmem>>) semaphore(%run_scoped3A : memref<!tpu.dma_semaphore, #tpu.memory_space<semaphore_mem>>) {add = true}
        %dma_wait3A_76 = arith.constant 0 : i32
        %dma_wait3A_77 = arith.constant 0 : i32
        %dma_wait3A_78 = tpu.memref_slice %arg12[%dma_wait3A_76, %dma_wait3A_77] : memref<10240x128xf32, #tpu.memory_space<vmem_shared>> -> memref<10240x128xf32, #tpu.memory_space<vmem_shared>>
        tpu.wait_indirect_dma semaphore(%run_scoped3A : memref<!tpu.dma_semaphore, #tpu.memory_space<semaphore_mem>>) src(%arg11 : memref<80x128xf32, #tpu.memory_space<vmem>>) dst(%dma_wait3A_78 : memref<10240x128xf32, #tpu.memory_space<vmem_shared>>)
        tpu.yield
      }) : () -> ()
    }
    %scan3A_30 = arith.constant 125 : i32
    %barrier3A_31 = arith.constant 0 : index
    tpu.barrier barrier_id(%barrier3A_31)
    %mul3A_32 = arith.constant 640 : i32
    %mul3A_33 = arith.muli %arg1, %mul3A_32 : i32
    %add3A_34 = arith.constant 0 : i32
    %add3A_35 = arith.addi %mul3A_33, %add3A_34 : i32
    "tpu.region"() ({
      %run_scoped3A = tpu.sem_alloc : memref<!tpu.dma_semaphore, #tpu.memory_space<semaphore_mem>>
      %dma_start3A = arith.constant 0 : i32
      %dma_start3A_52 = tpu.memref_slice %arg12[%add3A_35, %dma_start3A] : memref<10240x128xf32, #tpu.memory_space<vmem_shared>> -> memref<128x128xf32, #tpu.memory_space<vmem_shared>>
      %dma_start3A_53 = arith.constant 0 : i32
      %dma_start3A_54 = tpu.memref_slice %arg12[%add3A_35, %dma_start3A_53] : memref<10240x128xf32, #tpu.memory_space<vmem_shared>> -> memref<128x128xf32, #tpu.memory_space<vmem_shared>>
      tpu.enqueue_dma source(%dma_start3A_54 : memref<128x128xf32, #tpu.memory_space<vmem_shared>>) target(%arg13 : memref<128x128xf32, #tpu.memory_space<vmem>>) target_semaphore(%run_scoped3A : memref<!tpu.dma_semaphore, #tpu.memory_space<semaphore_mem>>)
      %dma_wait3A = arith.constant 0 : i32
      %dma_wait3A_55 = tpu.memref_slice %arg12[%add3A_35, %dma_wait3A] : memref<10240x128xf32, #tpu.memory_space<vmem_shared>> -> memref<128x128xf32, #tpu.memory_space<vmem_shared>>
      %dma_wait3A_56 = arith.constant 0 : i32
      %dma_wait3A_57 = tpu.memref_slice %arg12[%add3A_35, %dma_wait3A_56] : memref<10240x128xf32, #tpu.memory_space<vmem_shared>> -> memref<128x128xf32, #tpu.memory_space<vmem_shared>>
      tpu.wait_dma2 semaphore(%run_scoped3A : memref<!tpu.dma_semaphore, #tpu.memory_space<semaphore_mem>>) src(%dma_wait3A_57 : memref<128x128xf32, #tpu.memory_space<vmem_shared>>) dst(%arg13 : memref<128x128xf32, #tpu.memory_space<vmem>>)
      tpu.yield
    }) : () -> ()
    "tpu.region"() ({
      %run_scoped3A = tpu.sem_alloc : memref<!tpu.dma_semaphore, #tpu.memory_space<semaphore_mem>>
      %dma_start3A = arith.constant 0 : i32
      %dma_start3A_52 = tpu.memref_slice %arg6[%arg0, %add3A_35, %dma_start3A] : memref<2x10240x128xf32, #tpu.memory_space<hbm>> -> memref<1x128x128xf32, #tpu.memory_space<hbm>>
      %dma_start3A_53 = tpu.memref_squeeze %dma_start3A_52 : memref<1x128x128xf32, #tpu.memory_space<hbm>> -> memref<128x128xf32, #tpu.memory_space<hbm>>
      %dma_start3A_54 = arith.constant 0 : i32
      %dma_start3A_55 = tpu.memref_slice %arg6[%arg0, %add3A_35, %dma_start3A_54] : memref<2x10240x128xf32, #tpu.memory_space<hbm>> -> memref<1x128x128xf32, #tpu.memory_space<hbm>>
      %dma_start3A_56 = tpu.memref_squeeze %dma_start3A_55 : memref<1x128x128xf32, #tpu.memory_space<hbm>> -> memref<128x128xf32, #tpu.memory_space<hbm>>
      tpu.enqueue_dma source(%arg13 : memref<128x128xf32, #tpu.memory_space<vmem>>) target(%dma_start3A_56 : memref<128x128xf32, #tpu.memory_space<hbm>>) target_semaphore(%run_scoped3A : memref<!tpu.dma_semaphore, #tpu.memory_space<semaphore_mem>>)
      %dma_wait3A = arith.constant 0 : i32
      %dma_wait3A_57 = tpu.memref_slice %arg6[%arg0, %add3A_35, %dma_wait3A] : memref<2x10240x128xf32, #tpu.memory_space<hbm>> -> memref<1x128x128xf32, #tpu.memory_space<hbm>>
      %dma_wait3A_58 = tpu.memref_squeeze %dma_wait3A_57 : memref<1x128x128xf32, #tpu.memory_space<hbm>> -> memref<128x128xf32, #tpu.memory_space<hbm>>
      %dma_wait3A_59 = arith.constant 0 : i32
      %dma_wait3A_60 = tpu.memref_slice %arg6[%arg0, %add3A_35, %dma_wait3A_59] : memref<2x10240x128xf32, #tpu.memory_space<hbm>> -> memref<1x128x128xf32, #tpu.memory_space<hbm>>
      %dma_wait3A_61 = tpu.memref_squeeze %dma_wait3A_60 : memref<1x128x128xf32, #tpu.memory_space<hbm>> -> memref<128x128xf32, #tpu.memory_space<hbm>>
      tpu.wait_dma2 semaphore(%run_scoped3A : memref<!tpu.dma_semaphore, #tpu.memory_space<semaphore_mem>>) src(%arg13 : memref<128x128xf32, #tpu.memory_space<vmem>>) dst(%dma_wait3A_61 : memref<128x128xf32, #tpu.memory_space<hbm>>)
      tpu.yield
    }) : () -> ()
    %mul3A_36 = arith.constant 640 : i32
    %mul3A_37 = arith.muli %arg1, %mul3A_36 : i32
    %add3A_38 = arith.constant 128 : i32
    %add3A_39 = arith.addi %mul3A_37, %add3A_38 : i32
    "tpu.region"() ({
      %run_scoped3A = tpu.sem_alloc : memref<!tpu.dma_semaphore, #tpu.memory_space<semaphore_mem>>
      %dma_start3A = arith.constant 0 : i32
      %dma_start3A_52 = tpu.memref_slice %arg12[%add3A_39, %dma_start3A] : memref<10240x128xf32, #tpu.memory_space<vmem_shared>> -> memref<128x128xf32, #tpu.memory_space<vmem_shared>>
      %dma_start3A_53 = arith.constant 0 : i32
      %dma_start3A_54 = tpu.memref_slice %arg12[%add3A_39, %dma_start3A_53] : memref<10240x128xf32, #tpu.memory_space<vmem_shared>> -> memref<128x128xf32, #tpu.memory_space<vmem_shared>>
      tpu.enqueue_dma source(%dma_start3A_54 : memref<128x128xf32, #tpu.memory_space<vmem_shared>>) target(%arg13 : memref<128x128xf32, #tpu.memory_space<vmem>>) target_semaphore(%run_scoped3A : memref<!tpu.dma_semaphore, #tpu.memory_space<semaphore_mem>>)
      %dma_wait3A = arith.constant 0 : i32
      %dma_wait3A_55 = tpu.memref_slice %arg12[%add3A_39, %dma_wait3A] : memref<10240x128xf32, #tpu.memory_space<vmem_shared>> -> memref<128x128xf32, #tpu.memory_space<vmem_shared>>
      %dma_wait3A_56 = arith.constant 0 : i32
      %dma_wait3A_57 = tpu.memref_slice %arg12[%add3A_39, %dma_wait3A_56] : memref<10240x128xf32, #tpu.memory_space<vmem_shared>> -> memref<128x128xf32, #tpu.memory_space<vmem_shared>>
      tpu.wait_dma2 semaphore(%run_scoped3A : memref<!tpu.dma_semaphore, #tpu.memory_space<semaphore_mem>>) src(%dma_wait3A_57 : memref<128x128xf32, #tpu.memory_space<vmem_shared>>) dst(%arg13 : memref<128x128xf32, #tpu.memory_space<vmem>>)
      tpu.yield
    }) : () -> ()
    "tpu.region"() ({
      %run_scoped3A = tpu.sem_alloc : memref<!tpu.dma_semaphore, #tpu.memory_space<semaphore_mem>>
      %dma_start3A = arith.constant 0 : i32
      %dma_start3A_52 = tpu.memref_slice %arg6[%arg0, %add3A_39, %dma_start3A] : memref<2x10240x128xf32, #tpu.memory_space<hbm>> -> memref<1x128x128xf32, #tpu.memory_space<hbm>>
      %dma_start3A_53 = tpu.memref_squeeze %dma_start3A_52 : memref<1x128x128xf32, #tpu.memory_space<hbm>> -> memref<128x128xf32, #tpu.memory_space<hbm>>
      %dma_start3A_54 = arith.constant 0 : i32
      %dma_start3A_55 = tpu.memref_slice %arg6[%arg0, %add3A_39, %dma_start3A_54] : memref<2x10240x128xf32, #tpu.memory_space<hbm>> -> memref<1x128x128xf32, #tpu.memory_space<hbm>>
      %dma_start3A_56 = tpu.memref_squeeze %dma_start3A_55 : memref<1x128x128xf32, #tpu.memory_space<hbm>> -> memref<128x128xf32, #tpu.memory_space<hbm>>
      tpu.enqueue_dma source(%arg13 : memref<128x128xf32, #tpu.memory_space<vmem>>) target(%dma_start3A_56 : memref<128x128xf32, #tpu.memory_space<hbm>>) target_semaphore(%run_scoped3A : memref<!tpu.dma_semaphore, #tpu.memory_space<semaphore_mem>>)
      %dma_wait3A = arith.constant 0 : i32
      %dma_wait3A_57 = tpu.memref_slice %arg6[%arg0, %add3A_39, %dma_wait3A] : memref<2x10240x128xf32, #tpu.memory_space<hbm>> -> memref<1x128x128xf32, #tpu.memory_space<hbm>>
      %dma_wait3A_58 = tpu.memref_squeeze %dma_wait3A_57 : memref<1x128x128xf32, #tpu.memory_space<hbm>> -> memref<128x128xf32, #tpu.memory_space<hbm>>
      %dma_wait3A_59 = arith.constant 0 : i32
      %dma_wait3A_60 = tpu.memref_slice %arg6[%arg0, %add3A_39, %dma_wait3A_59] : memref<2x10240x128xf32, #tpu.memory_space<hbm>> -> memref<1x128x128xf32, #tpu.memory_space<hbm>>
      %dma_wait3A_61 = tpu.memref_squeeze %dma_wait3A_60 : memref<1x128x128xf32, #tpu.memory_space<hbm>> -> memref<128x128xf32, #tpu.memory_space<hbm>>
      tpu.wait_dma2 semaphore(%run_scoped3A : memref<!tpu.dma_semaphore, #tpu.memory_space<semaphore_mem>>) src(%arg13 : memref<128x128xf32, #tpu.memory_space<vmem>>) dst(%dma_wait3A_61 : memref<128x128xf32, #tpu.memory_space<hbm>>)
      tpu.yield
    }) : () -> ()
    %mul3A_40 = arith.constant 640 : i32
    %mul3A_41 = arith.muli %arg1, %mul3A_40 : i32
    %add3A_42 = arith.constant 256 : i32
    %add3A_43 = arith.addi %mul3A_41, %add3A_42 : i32
    "tpu.region"() ({
      %run_scoped3A = tpu.sem_alloc : memref<!tpu.dma_semaphore, #tpu.memory_space<semaphore_mem>>
      %dma_start3A = arith.constant 0 : i32
      %dma_start3A_52 = tpu.memref_slice %arg12[%add3A_43, %dma_start3A] : memref<10240x128xf32, #tpu.memory_space<vmem_shared>> -> memref<128x128xf32, #tpu.memory_space<vmem_shared>>
      %dma_start3A_53 = arith.constant 0 : i32
      %dma_start3A_54 = tpu.memref_slice %arg12[%add3A_43, %dma_start3A_53] : memref<10240x128xf32, #tpu.memory_space<vmem_shared>> -> memref<128x128xf32, #tpu.memory_space<vmem_shared>>
      tpu.enqueue_dma source(%dma_start3A_54 : memref<128x128xf32, #tpu.memory_space<vmem_shared>>) target(%arg13 : memref<128x128xf32, #tpu.memory_space<vmem>>) target_semaphore(%run_scoped3A : memref<!tpu.dma_semaphore, #tpu.memory_space<semaphore_mem>>)
      %dma_wait3A = arith.constant 0 : i32
      %dma_wait3A_55 = tpu.memref_slice %arg12[%add3A_43, %dma_wait3A] : memref<10240x128xf32, #tpu.memory_space<vmem_shared>> -> memref<128x128xf32, #tpu.memory_space<vmem_shared>>
      %dma_wait3A_56 = arith.constant 0 : i32
      %dma_wait3A_57 = tpu.memref_slice %arg12[%add3A_43, %dma_wait3A_56] : memref<10240x128xf32, #tpu.memory_space<vmem_shared>> -> memref<128x128xf32, #tpu.memory_space<vmem_shared>>
      tpu.wait_dma2 semaphore(%run_scoped3A : memref<!tpu.dma_semaphore, #tpu.memory_space<semaphore_mem>>) src(%dma_wait3A_57 : memref<128x128xf32, #tpu.memory_space<vmem_shared>>) dst(%arg13 : memref<128x128xf32, #tpu.memory_space<vmem>>)
      tpu.yield
    }) : () -> ()
    "tpu.region"() ({
      %run_scoped3A = tpu.sem_alloc : memref<!tpu.dma_semaphore, #tpu.memory_space<semaphore_mem>>
      %dma_start3A = arith.constant 0 : i32
      %dma_start3A_52 = tpu.memref_slice %arg6[%arg0, %add3A_43, %dma_start3A] : memref<2x10240x128xf32, #tpu.memory_space<hbm>> -> memref<1x128x128xf32, #tpu.memory_space<hbm>>
      %dma_start3A_53 = tpu.memref_squeeze %dma_start3A_52 : memref<1x128x128xf32, #tpu.memory_space<hbm>> -> memref<128x128xf32, #tpu.memory_space<hbm>>
      %dma_start3A_54 = arith.constant 0 : i32
      %dma_start3A_55 = tpu.memref_slice %arg6[%arg0, %add3A_43, %dma_start3A_54] : memref<2x10240x128xf32, #tpu.memory_space<hbm>> -> memref<1x128x128xf32, #tpu.memory_space<hbm>>
      %dma_start3A_56 = tpu.memref_squeeze %dma_start3A_55 : memref<1x128x128xf32, #tpu.memory_space<hbm>> -> memref<128x128xf32, #tpu.memory_space<hbm>>
      tpu.enqueue_dma source(%arg13 : memref<128x128xf32, #tpu.memory_space<vmem>>) target(%dma_start3A_56 : memref<128x128xf32, #tpu.memory_space<hbm>>) target_semaphore(%run_scoped3A : memref<!tpu.dma_semaphore, #tpu.memory_space<semaphore_mem>>)
      %dma_wait3A = arith.constant 0 : i32
      %dma_wait3A_57 = tpu.memref_slice %arg6[%arg0, %add3A_43, %dma_wait3A] : memref<2x10240x128xf32, #tpu.memory_space<hbm>> -> memref<1x128x128xf32, #tpu.memory_space<hbm>>
      %dma_wait3A_58 = tpu.memref_squeeze %dma_wait3A_57 : memref<1x128x128xf32, #tpu.memory_space<hbm>> -> memref<128x128xf32, #tpu.memory_space<hbm>>
      %dma_wait3A_59 = arith.constant 0 : i32
      %dma_wait3A_60 = tpu.memref_slice %arg6[%arg0, %add3A_43, %dma_wait3A_59] : memref<2x10240x128xf32, #tpu.memory_space<hbm>> -> memref<1x128x128xf32, #tpu.memory_space<hbm>>
      %dma_wait3A_61 = tpu.memref_squeeze %dma_wait3A_60 : memref<1x128x128xf32, #tpu.memory_space<hbm>> -> memref<128x128xf32, #tpu.memory_space<hbm>>
      tpu.wait_dma2 semaphore(%run_scoped3A : memref<!tpu.dma_semaphore, #tpu.memory_space<semaphore_mem>>) src(%arg13 : memref<128x128xf32, #tpu.memory_space<vmem>>) dst(%dma_wait3A_61 : memref<128x128xf32, #tpu.memory_space<hbm>>)
      tpu.yield
    }) : () -> ()
    %mul3A_44 = arith.constant 640 : i32
    %mul3A_45 = arith.muli %arg1, %mul3A_44 : i32
    %add3A_46 = arith.constant 384 : i32
    %add3A_47 = arith.addi %mul3A_45, %add3A_46 : i32
    "tpu.region"() ({
      %run_scoped3A = tpu.sem_alloc : memref<!tpu.dma_semaphore, #tpu.memory_space<semaphore_mem>>
      %dma_start3A = arith.constant 0 : i32
      %dma_start3A_52 = tpu.memref_slice %arg12[%add3A_47, %dma_start3A] : memref<10240x128xf32, #tpu.memory_space<vmem_shared>> -> memref<128x128xf32, #tpu.memory_space<vmem_shared>>
      %dma_start3A_53 = arith.constant 0 : i32
      %dma_start3A_54 = tpu.memref_slice %arg12[%add3A_47, %dma_start3A_53] : memref<10240x128xf32, #tpu.memory_space<vmem_shared>> -> memref<128x128xf32, #tpu.memory_space<vmem_shared>>
      tpu.enqueue_dma source(%dma_start3A_54 : memref<128x128xf32, #tpu.memory_space<vmem_shared>>) target(%arg13 : memref<128x128xf32, #tpu.memory_space<vmem>>) target_semaphore(%run_scoped3A : memref<!tpu.dma_semaphore, #tpu.memory_space<semaphore_mem>>)
      %dma_wait3A = arith.constant 0 : i32
      %dma_wait3A_55 = tpu.memref_slice %arg12[%add3A_47, %dma_wait3A] : memref<10240x128xf32, #tpu.memory_space<vmem_shared>> -> memref<128x128xf32, #tpu.memory_space<vmem_shared>>
      %dma_wait3A_56 = arith.constant 0 : i32
      %dma_wait3A_57 = tpu.memref_slice %arg12[%add3A_47, %dma_wait3A_56] : memref<10240x128xf32, #tpu.memory_space<vmem_shared>> -> memref<128x128xf32, #tpu.memory_space<vmem_shared>>
      tpu.wait_dma2 semaphore(%run_scoped3A : memref<!tpu.dma_semaphore, #tpu.memory_space<semaphore_mem>>) src(%dma_wait3A_57 : memref<128x128xf32, #tpu.memory_space<vmem_shared>>) dst(%arg13 : memref<128x128xf32, #tpu.memory_space<vmem>>)
      tpu.yield
    }) : () -> ()
    "tpu.region"() ({
      %run_scoped3A = tpu.sem_alloc : memref<!tpu.dma_semaphore, #tpu.memory_space<semaphore_mem>>
      %dma_start3A = arith.constant 0 : i32
      %dma_start3A_52 = tpu.memref_slice %arg6[%arg0, %add3A_47, %dma_start3A] : memref<2x10240x128xf32, #tpu.memory_space<hbm>> -> memref<1x128x128xf32, #tpu.memory_space<hbm>>
      %dma_start3A_53 = tpu.memref_squeeze %dma_start3A_52 : memref<1x128x128xf32, #tpu.memory_space<hbm>> -> memref<128x128xf32, #tpu.memory_space<hbm>>
      %dma_start3A_54 = arith.constant 0 : i32
      %dma_start3A_55 = tpu.memref_slice %arg6[%arg0, %add3A_47, %dma_start3A_54] : memref<2x10240x128xf32, #tpu.memory_space<hbm>> -> memref<1x128x128xf32, #tpu.memory_space<hbm>>
      %dma_start3A_56 = tpu.memref_squeeze %dma_start3A_55 : memref<1x128x128xf32, #tpu.memory_space<hbm>> -> memref<128x128xf32, #tpu.memory_space<hbm>>
      tpu.enqueue_dma source(%arg13 : memref<128x128xf32, #tpu.memory_space<vmem>>) target(%dma_start3A_56 : memref<128x128xf32, #tpu.memory_space<hbm>>) target_semaphore(%run_scoped3A : memref<!tpu.dma_semaphore, #tpu.memory_space<semaphore_mem>>)
      %dma_wait3A = arith.constant 0 : i32
      %dma_wait3A_57 = tpu.memref_slice %arg6[%arg0, %add3A_47, %dma_wait3A] : memref<2x10240x128xf32, #tpu.memory_space<hbm>> -> memref<1x128x128xf32, #tpu.memory_space<hbm>>
      %dma_wait3A_58 = tpu.memref_squeeze %dma_wait3A_57 : memref<1x128x128xf32, #tpu.memory_space<hbm>> -> memref<128x128xf32, #tpu.memory_space<hbm>>
      %dma_wait3A_59 = arith.constant 0 : i32
      %dma_wait3A_60 = tpu.memref_slice %arg6[%arg0, %add3A_47, %dma_wait3A_59] : memref<2x10240x128xf32, #tpu.memory_space<hbm>> -> memref<1x128x128xf32, #tpu.memory_space<hbm>>
      %dma_wait3A_61 = tpu.memref_squeeze %dma_wait3A_60 : memref<1x128x128xf32, #tpu.memory_space<hbm>> -> memref<128x128xf32, #tpu.memory_space<hbm>>
      tpu.wait_dma2 semaphore(%run_scoped3A : memref<!tpu.dma_semaphore, #tpu.memory_space<semaphore_mem>>) src(%arg13 : memref<128x128xf32, #tpu.memory_space<vmem>>) dst(%dma_wait3A_61 : memref<128x128xf32, #tpu.memory_space<hbm>>)
      tpu.yield
    }) : () -> ()
    %mul3A_48 = arith.constant 640 : i32
    %mul3A_49 = arith.muli %arg1, %mul3A_48 : i32
    %add3A_50 = arith.constant 512 : i32
    %add3A_51 = arith.addi %mul3A_49, %add3A_50 : i32
    "tpu.region"() ({
      %run_scoped3A = tpu.sem_alloc : memref<!tpu.dma_semaphore, #tpu.memory_space<semaphore_mem>>
      %dma_start3A = arith.constant 0 : i32
      %dma_start3A_52 = tpu.memref_slice %arg12[%add3A_51, %dma_start3A] : memref<10240x128xf32, #tpu.memory_space<vmem_shared>> -> memref<128x128xf32, #tpu.memory_space<vmem_shared>>
      %dma_start3A_53 = arith.constant 0 : i32
      %dma_start3A_54 = tpu.memref_slice %arg12[%add3A_51, %dma_start3A_53] : memref<10240x128xf32, #tpu.memory_space<vmem_shared>> -> memref<128x128xf32, #tpu.memory_space<vmem_shared>>
      tpu.enqueue_dma source(%dma_start3A_54 : memref<128x128xf32, #tpu.memory_space<vmem_shared>>) target(%arg13 : memref<128x128xf32, #tpu.memory_space<vmem>>) target_semaphore(%run_scoped3A : memref<!tpu.dma_semaphore, #tpu.memory_space<semaphore_mem>>)
      %dma_wait3A = arith.constant 0 : i32
      %dma_wait3A_55 = tpu.memref_slice %arg12[%add3A_51, %dma_wait3A] : memref<10240x128xf32, #tpu.memory_space<vmem_shared>> -> memref<128x128xf32, #tpu.memory_space<vmem_shared>>
      %dma_wait3A_56 = arith.constant 0 : i32
      %dma_wait3A_57 = tpu.memref_slice %arg12[%add3A_51, %dma_wait3A_56] : memref<10240x128xf32, #tpu.memory_space<vmem_shared>> -> memref<128x128xf32, #tpu.memory_space<vmem_shared>>
      tpu.wait_dma2 semaphore(%run_scoped3A : memref<!tpu.dma_semaphore, #tpu.memory_space<semaphore_mem>>) src(%dma_wait3A_57 : memref<128x128xf32, #tpu.memory_space<vmem_shared>>) dst(%arg13 : memref<128x128xf32, #tpu.memory_space<vmem>>)
      tpu.yield
    }) : () -> ()
    "tpu.region"() ({
      %run_scoped3A = tpu.sem_alloc : memref<!tpu.dma_semaphore, #tpu.memory_space<semaphore_mem>>
      %dma_start3A = arith.constant 0 : i32
      %dma_start3A_52 = tpu.memref_slice %arg6[%arg0, %add3A_51, %dma_start3A] : memref<2x10240x128xf32, #tpu.memory_space<hbm>> -> memref<1x128x128xf32, #tpu.memory_space<hbm>>
      %dma_start3A_53 = tpu.memref_squeeze %dma_start3A_52 : memref<1x128x128xf32, #tpu.memory_space<hbm>> -> memref<128x128xf32, #tpu.memory_space<hbm>>
      %dma_start3A_54 = arith.constant 0 : i32
      %dma_start3A_55 = tpu.memref_slice %arg6[%arg0, %add3A_51, %dma_start3A_54] : memref<2x10240x128xf32, #tpu.memory_space<hbm>> -> memref<1x128x128xf32, #tpu.memory_space<hbm>>
      %dma_start3A_56 = tpu.memref_squeeze %dma_start3A_55 : memref<1x128x128xf32, #tpu.memory_space<hbm>> -> memref<128x128xf32, #tpu.memory_space<hbm>>
      tpu.enqueue_dma source(%arg13 : memref<128x128xf32, #tpu.memory_space<vmem>>) target(%dma_start3A_56 : memref<128x128xf32, #tpu.memory_space<hbm>>) target_semaphore(%run_scoped3A : memref<!tpu.dma_semaphore, #tpu.memory_space<semaphore_mem>>)
      %dma_wait3A = arith.constant 0 : i32
      %dma_wait3A_57 = tpu.memref_slice %arg6[%arg0, %add3A_51, %dma_wait3A] : memref<2x10240x128xf32, #tpu.memory_space<hbm>> -> memref<1x128x128xf32, #tpu.memory_space<hbm>>
      %dma_wait3A_58 = tpu.memref_squeeze %dma_wait3A_57 : memref<1x128x128xf32, #tpu.memory_space<hbm>> -> memref<128x128xf32, #tpu.memory_space<hbm>>
      %dma_wait3A_59 = arith.constant 0 : i32
      %dma_wait3A_60 = tpu.memref_slice %arg6[%arg0, %add3A_51, %dma_wait3A_59] : memref<2x10240x128xf32, #tpu.memory_space<hbm>> -> memref<1x128x128xf32, #tpu.memory_space<hbm>>
      %dma_wait3A_61 = tpu.memref_squeeze %dma_wait3A_60 : memref<1x128x128xf32, #tpu.memory_space<hbm>> -> memref<128x128xf32, #tpu.memory_space<hbm>>
      tpu.wait_dma2 semaphore(%run_scoped3A : memref<!tpu.dma_semaphore, #tpu.memory_space<semaphore_mem>>) src(%arg13 : memref<128x128xf32, #tpu.memory_space<vmem>>) dst(%dma_wait3A_61 : memref<128x128xf32, #tpu.memory_space<hbm>>)
      tpu.yield
    }) : () -> ()
    return
  }
}

module attributes {stable_mosaic.version = 14 : i64} {
  func.func @_prep1_body(%arg0: memref<10000x128xf32, #tpu.memory_space<vmem>>, %arg1: memref<64x128xf32, #tpu.memory_space<vmem>>, %arg2: memref<1x64xf32, #tpu.memory_space<vmem>>, %arg3: memref<1x64xf32, #tpu.memory_space<vmem>>, %arg4: memref<1x64xf32, #tpu.memory_space<vmem>>, %arg5: memref<10000x128xf32, #tpu.memory_space<vmem>>, %arg6: memref<10000x128xf32, #tpu.memory_space<vmem>>) attributes {dimension_semantics = [], scalar_prefetch = 0 : i64, scratch_operands = 0 : i64, tpu.core_type = #tpu.core_type<tc>} {
    %get3A = arith.constant 0 : index
    %get3A_0 = arith.constant 0 : index
    %get3A_1 = vector.load %arg0[%get3A, %get3A_0] : memref<10000x128xf32, #tpu.memory_space<vmem>>, vector<10000x128xf32>
    %get3A_2 = arith.constant 0 : index
    %get3A_3 = arith.constant 0 : index
    %get3A_4 = vector.load %arg1[%get3A_2, %get3A_3] : memref<64x128xf32, #tpu.memory_space<vmem>>, vector<64x128xf32>
    %dot_general3A = arith.constant dense<0.000000e+00> : vector<10000x64xf32>
    %dot_general3A_5 = tpu.matmul %get3A_1, %get3A_4, %dot_general3A {dimension_numbers = #tpu.dot_dimension_numbers<[1], [1], [0], [0], [0, 0, 1, 0], [], []>, transpose_lhs_hint = false} : vector<10000x128xf32>, vector<64x128xf32>, vector<10000x64xf32> -> vector<10000x64xf32>
    %get3A_6 = arith.constant 0 : index
    %get3A_7 = arith.constant 0 : index
    %get3A_8 = vector.load %arg2[%get3A_6, %get3A_7] : memref<1x64xf32, #tpu.memory_space<vmem>>, vector<1x64xf32>
    %add3A = vector.broadcast %get3A_8 : vector<1x64xf32> to vector<10000x64xf32>
    %add3A_9 = arith.addf %dot_general3A_5, %add3A : vector<10000x64xf32>
    %get3A_10 = arith.constant 0 : index
    %get3A_11 = arith.constant 0 : index
    %get3A_12 = vector.load %arg3[%get3A_10, %get3A_11] : memref<1x64xf32, #tpu.memory_space<vmem>>, vector<1x64xf32>
    %mul3A = vector.broadcast %get3A_12 : vector<1x64xf32> to vector<10000x64xf32>
    %mul3A_13 = arith.mulf %mul3A, %add3A_9 : vector<10000x64xf32>
    %get3A_14 = arith.constant 0 : index
    %get3A_15 = arith.constant 0 : index
    %get3A_16 = vector.load %arg4[%get3A_14, %get3A_15] : memref<1x64xf32, #tpu.memory_space<vmem>>, vector<1x64xf32>
    %mul3A_17 = vector.broadcast %get3A_16 : vector<1x64xf32> to vector<10000x64xf32>
    %mul3A_18 = arith.mulf %mul3A_17, %add3A_9 : vector<10000x64xf32>
    %concatenate3A = tpu.concatenate %mul3A_13, %add3A_9 in 1 : vector<10000x64xf32>, vector<10000x64xf32> -> vector<10000x128xf32>
    %swap3A = arith.constant 0 : index
    %swap3A_19 = arith.constant 0 : index
    %swap3A_20 = vector.load %arg5[%swap3A, %swap3A_19] : memref<10000x128xf32, #tpu.memory_space<vmem>>, vector<10000x128xf32>
    tpu.vector_store %arg5[%swap3A, %swap3A_19], %concatenate3A {strides = array<i32>} : memref<10000x128xf32, #tpu.memory_space<vmem>>, vector<10000x128xf32>,
    %concatenate3A_21 = tpu.concatenate %mul3A_18, %mul3A_18 in 1 : vector<10000x64xf32>, vector<10000x64xf32> -> vector<10000x128xf32>
    %swap3A_22 = arith.constant 0 : index
    %swap3A_23 = arith.constant 0 : index
    %swap3A_24 = vector.load %arg6[%swap3A_22, %swap3A_23] : memref<10000x128xf32, #tpu.memory_space<vmem>>, vector<10000x128xf32>
    tpu.vector_store %arg6[%swap3A_22, %swap3A_23], %concatenate3A_21 {strides = array<i32>} : memref<10000x128xf32, #tpu.memory_space<vmem>>, vector<10000x128xf32>,
    return
  }
}

module attributes {stable_mosaic.version = 14 : i64} {
  func.func @_mid_body(%arg0: memref<2x10240x128xf32, #tpu.memory_space<vmem>>, %arg1: memref<64x64xf32, #tpu.memory_space<vmem>>, %arg2: memref<1x64xf32, #tpu.memory_space<vmem>>, %arg3: memref<1x64xf32, #tpu.memory_space<vmem>>, %arg4: memref<1x64xf32, #tpu.memory_space<vmem>>, %arg5: memref<10000x128xf32, #tpu.memory_space<vmem>>, %arg6: memref<10000x128xf32, #tpu.memory_space<vmem>>) attributes {dimension_semantics = [], scalar_prefetch = 0 : i64, scratch_operands = 0 : i64, tpu.core_type = #tpu.core_type<tc>} {
    %get3A = arith.constant 0 : index
    %get3A_0 = arith.constant 0 : index
    %get3A_1 = arith.constant 0 : index
    %get3A_2 = vector.load %arg0[%get3A, %get3A_0, %get3A_1] : memref<2x10240x128xf32, #tpu.memory_space<vmem>>, vector<1x10000x128xf32>
    %get3A_3 = vector.shape_cast %get3A_2 : vector<1x10000x128xf32> to vector<10000x128xf32>
    %get3A_4 = arith.constant 1 : index
    %get3A_5 = arith.constant 0 : index
    %get3A_6 = arith.constant 0 : index
    %get3A_7 = vector.load %arg0[%get3A_4, %get3A_5, %get3A_6] : memref<2x10240x128xf32, #tpu.memory_space<vmem>>, vector<1x10000x128xf32>
    %get3A_8 = vector.shape_cast %get3A_7 : vector<1x10000x128xf32> to vector<10000x128xf32>
    %add3A = arith.addf %get3A_3, %get3A_8 : vector<10000x128xf32>
    %slice3A = vector.extract_strided_slice %add3A {offsets = [0, 0], sizes = [10000, 64], strides = [1, 1]} : vector<10000x128xf32> to vector<10000x64xf32>
    %slice3A_9 = vector.extract_strided_slice %add3A {offsets = [0, 64], sizes = [10000, 64], strides = [1, 1]} : vector<10000x128xf32> to vector<10000x64xf32>
    %add3A_10 = arith.constant 1.000000e-16 : f32
    %add3A_11 = vector.broadcast %add3A_10 : f32 to vector<10000x64xf32>
    %add3A_12 = arith.addf %slice3A, %add3A_11 : vector<10000x64xf32>
    %div3A = arith.divf %slice3A_9, %add3A_12 : vector<10000x64xf32>
    %max3A = arith.constant 0.000000e+00 : f32
    %max3A_13 = vector.broadcast %max3A : f32 to vector<10000x64xf32>
    %max3A_14 = arith.maximumf %div3A, %max3A_13 : vector<10000x64xf32>
    %get3A_15 = arith.constant 0 : index
    %get3A_16 = arith.constant 0 : index
    %get3A_17 = vector.load %arg1[%get3A_15, %get3A_16] : memref<64x64xf32, #tpu.memory_space<vmem>>, vector<64x64xf32>
    %dot_general3A = arith.constant dense<0.000000e+00> : vector<10000x64xf32>
    %dot_general3A_18 = tpu.matmul %max3A_14, %get3A_17, %dot_general3A {dimension_numbers = #tpu.dot_dimension_numbers<[1], [1], [0], [0], [0, 0, 1, 0], [], []>, transpose_lhs_hint = false} : vector<10000x64xf32>, vector<64x64xf32>, vector<10000x64xf32> -> vector<10000x64xf32>
    %get3A_19 = arith.constant 0 : index
    %get3A_20 = arith.constant 0 : index
    %get3A_21 = vector.load %arg2[%get3A_19, %get3A_20] : memref<1x64xf32, #tpu.memory_space<vmem>>, vector<1x64xf32>
    %add3A_22 = vector.broadcast %get3A_21 : vector<1x64xf32> to vector<10000x64xf32>
    %add3A_23 = arith.addf %dot_general3A_18, %add3A_22 : vector<10000x64xf32>
    %get3A_24 = arith.constant 0 : index
    %get3A_25 = arith.constant 0 : index
    %get3A_26 = vector.load %arg3[%get3A_24, %get3A_25] : memref<1x64xf32, #tpu.memory_space<vmem>>, vector<1x64xf32>
    %mul3A = vector.broadcast %get3A_26 : vector<1x64xf32> to vector<10000x64xf32>
    %mul3A_27 = arith.mulf %mul3A, %add3A_23 : vector<10000x64xf32>
    %get3A_28 = arith.constant 0 : index
    %get3A_29 = arith.constant 0 : index
    %get3A_30 = vector.load %arg4[%get3A_28, %get3A_29] : memref<1x64xf32, #tpu.memory_space<vmem>>, vector<1x64xf32>
    %mul3A_31 = vector.broadcast %get3A_30 : vector<1x64xf32> to vector<10000x64xf32>
    %mul3A_32 = arith.mulf %mul3A_31, %add3A_23 : vector<10000x64xf32>
    %concatenate3A = tpu.concatenate %mul3A_27, %add3A_23 in 1 : vector<10000x64xf32>, vector<10000x64xf32> -> vector<10000x128xf32>
    %swap3A = arith.constant 0 : index
    %swap3A_33 = arith.constant 0 : index
    %swap3A_34 = vector.load %arg5[%swap3A, %swap3A_33] : memref<10000x128xf32, #tpu.memory_space<vmem>>, vector<10000x128xf32>
    tpu.vector_store %arg5[%swap3A, %swap3A_33], %concatenate3A {strides = array<i32>} : memref<10000x128xf32, #tpu.memory_space<vmem>>, vector<10000x128xf32>,
    %concatenate3A_35 = tpu.concatenate %mul3A_32, %mul3A_32 in 1 : vector<10000x64xf32>, vector<10000x64xf32> -> vector<10000x128xf32>
    %swap3A_36 = arith.constant 0 : index
    %swap3A_37 = arith.constant 0 : index
    %swap3A_38 = vector.load %arg6[%swap3A_36, %swap3A_37] : memref<10000x128xf32, #tpu.memory_space<vmem>>, vector<10000x128xf32>
    tpu.vector_store %arg6[%swap3A_36, %swap3A_37], %concatenate3A_35 {strides = array<i32>} : memref<10000x128xf32, #tpu.memory_space<vmem>>, vector<10000x128xf32>,
    return
  }
}

module attributes {stable_mosaic.version = 14 : i64} {
  func.func @_post_body(%arg0: memref<2x10240x128xf32, #tpu.memory_space<vmem>>, %arg1: memref<32x64xf32, #tpu.memory_space<vmem>>, %arg2: memref<1x32xf32, #tpu.memory_space<vmem>>, %arg3: memref<64x32xf32, #tpu.memory_space<vmem>>, %arg4: memref<1x64xf32, #tpu.memory_space<vmem>>, %arg5: memref<10000x64xf32, #tpu.memory_space<vmem>>) attributes {dimension_semantics = [], scalar_prefetch = 0 : i64, scratch_operands = 0 : i64, tpu.core_type = #tpu.core_type<tc>} {
    %get3A = arith.constant 0 : index
    %get3A_0 = arith.constant 0 : index
    %get3A_1 = arith.constant 0 : index
    %get3A_2 = vector.load %arg0[%get3A, %get3A_0, %get3A_1] : memref<2x10240x128xf32, #tpu.memory_space<vmem>>, vector<1x10000x128xf32>
    %get3A_3 = vector.shape_cast %get3A_2 : vector<1x10000x128xf32> to vector<10000x128xf32>
    %get3A_4 = arith.constant 1 : index
    %get3A_5 = arith.constant 0 : index
    %get3A_6 = arith.constant 0 : index
    %get3A_7 = vector.load %arg0[%get3A_4, %get3A_5, %get3A_6] : memref<2x10240x128xf32, #tpu.memory_space<vmem>>, vector<1x10000x128xf32>
    %get3A_8 = vector.shape_cast %get3A_7 : vector<1x10000x128xf32> to vector<10000x128xf32>
    %add3A = arith.addf %get3A_3, %get3A_8 : vector<10000x128xf32>
    %slice3A = vector.extract_strided_slice %add3A {offsets = [0, 0], sizes = [10000, 64], strides = [1, 1]} : vector<10000x128xf32> to vector<10000x64xf32>
    %slice3A_9 = vector.extract_strided_slice %add3A {offsets = [0, 64], sizes = [10000, 64], strides = [1, 1]} : vector<10000x128xf32> to vector<10000x64xf32>
    %add3A_10 = arith.constant 1.000000e-16 : f32
    %add3A_11 = vector.broadcast %add3A_10 : f32 to vector<10000x64xf32>
    %add3A_12 = arith.addf %slice3A, %add3A_11 : vector<10000x64xf32>
    %div3A = arith.divf %slice3A_9, %add3A_12 : vector<10000x64xf32>
    %max3A = arith.constant 0.000000e+00 : f32
    %max3A_13 = vector.broadcast %max3A : f32 to vector<10000x64xf32>
    %max3A_14 = arith.maximumf %div3A, %max3A_13 : vector<10000x64xf32>
    %get3A_15 = arith.constant 0 : index
    %get3A_16 = arith.constant 0 : index
    %get3A_17 = vector.load %arg1[%get3A_15, %get3A_16] : memref<32x64xf32, #tpu.memory_space<vmem>>, vector<32x64xf32>
    %dot_general3A = arith.constant dense<0.000000e+00> : vector<10000x32xf32>
    %dot_general3A_18 = tpu.matmul %max3A_14, %get3A_17, %dot_general3A {dimension_numbers = #tpu.dot_dimension_numbers<[1], [1], [0], [0], [0, 0, 1, 0], [], []>, transpose_lhs_hint = false} : vector<10000x64xf32>, vector<32x64xf32>, vector<10000x32xf32> -> vector<10000x32xf32>
    %get3A_19 = arith.constant 0 : index
    %get3A_20 = arith.constant 0 : index
    %get3A_21 = vector.load %arg2[%get3A_19, %get3A_20] : memref<1x32xf32, #tpu.memory_space<vmem>>, vector<1x32xf32>
    %add3A_22 = vector.broadcast %get3A_21 : vector<1x32xf32> to vector<10000x32xf32>
    %add3A_23 = arith.addf %dot_general3A_18, %add3A_22 : vector<10000x32xf32>
    %get3A_24 = arith.constant 0 : index
    %get3A_25 = arith.constant 0 : index
    %get3A_26 = vector.load %arg3[%get3A_24, %get3A_25] : memref<64x32xf32, #tpu.memory_space<vmem>>, vector<64x32xf32>
    %dot_general3A_27 = arith.constant dense<0.000000e+00> : vector<10000x64xf32>
    %dot_general3A_28 = tpu.matmul %add3A_23, %get3A_26, %dot_general3A_27 {dimension_numbers = #tpu.dot_dimension_numbers<[1], [1], [0], [0], [0, 0, 1, 0], [], []>, transpose_lhs_hint = false} : vector<10000x32xf32>, vector<64x32xf32>, vector<10000x64xf32> -> vector<10000x64xf32>
    %get3A_29 = arith.constant 0 : index
    %get3A_30 = arith.constant 0 : index
    %get3A_31 = vector.load %arg4[%get3A_29, %get3A_30] : memref<1x64xf32, #tpu.memory_space<vmem>>, vector<1x64xf32>
    %add3A_32 = vector.broadcast %get3A_31 : vector<1x64xf32> to vector<10000x64xf32>
    %add3A_33 = arith.addf %dot_general3A_28, %add3A_32 : vector<10000x64xf32>
    %reduce_max3A = arith.constant dense<0xFF800000> : vector<10000xf32>
    %reduce_max3A_34 = vector.multi_reduction <maximumf>, %add3A_33, %reduce_max3A [1] : vector<10000x64xf32> to vector<10000xf32>
    %broadcast_in_dim3A = vector.shape_cast %reduce_max3A_34 : vector<10000xf32> to vector<10000x1xf32>
    %sub3A = vector.broadcast %broadcast_in_dim3A : vector<10000x1xf32> to vector<10000x64xf32>
    %sub3A_35 = arith.subf %add3A_33, %sub3A : vector<10000x64xf32>
    %exp3A = math.exp %sub3A_35 : vector<10000x64xf32>
    %reduce_sum3A = arith.constant dense<0.000000e+00> : vector<10000xf32>
    %reduce_sum3A_36 = vector.multi_reduction <add>, %exp3A, %reduce_sum3A [1] : vector<10000x64xf32> to vector<10000xf32>
    %broadcast_in_dim3A_37 = vector.shape_cast %reduce_sum3A_36 : vector<10000xf32> to vector<10000x1xf32>
    %log3A = math.log %broadcast_in_dim3A_37 : vector<10000x1xf32>
    %add3A_38 = arith.addf %log3A, %broadcast_in_dim3A : vector<10000x1xf32>
    %sub3A_39 = vector.broadcast %add3A_38 : vector<10000x1xf32> to vector<10000x64xf32>
    %sub3A_40 = arith.subf %add3A_33, %sub3A_39 : vector<10000x64xf32>
    %swap3A = arith.constant 0 : index
    %swap3A_41 = arith.constant 0 : index
    %swap3A_42 = vector.load %arg5[%swap3A, %swap3A_41] : memref<10000x64xf32, #tpu.memory_space<vmem>>, vector<10000x64xf32>
    tpu.vector_store %arg5[%swap3A, %swap3A_41], %sub3A_40 {strides = array<i32>} : memref<10000x64xf32, #tpu.memory_space<vmem>>, vector<10000x64xf32>,
    return
  }
}

</mosaic_0001>

<sc_bundles>
// kernel: kernel.10.cloned.1.call-start
scs
__scs_entry_jumppad:
0x0: {  	(pc) =	sbr.rel $0x88, $3  }
0x1: {  	(tag) =	ssettag $0x0;
	lr =	simm.s32 $0x1  }
0x2: {  	[smem:$0x3F93] =	sst lr;
	_ =	strace $0xD0000000  }
0x3: {  	_ = 	snop  }
0x4: {  	_ = 	snop  }
0x5: {  	_ = 	snop  }
0x6: {  	_ = 	snop  }
0x7: {  	_ = 	snop  }
__scs_overlays_trampoline_lowered:
0x8: {  	[smem:$0x3FA2] =	sst s0  }
0x9: {  	[smem:$0x3FA3] =	sst s1  }
0xa: {  	[smem:$0x3FA4] =	sst s2  }
0xb: {  	[smem:$0x3FA5] =	sst s3  }
0xc: {  	[smem:$0x3FA6] =	sst s4  }
0xd: {  	[smem:$0x3FA7] =	sst s5  }
0xe: {  	[smem:$0x3FA8] =	sst s6  }
0xf: {  	[smem:$0x3FA9] =	sst s7  }
0x10: {  	[smem:$0x3FAA] =	sst s8  }
0x11: {  	[smem:$0x3FAB] =	sst s9;
	s0 =	simm.s32 @!p0 $0x0  }
0x12: {  	s1 =	sld [smem:$0x3F91];
	s0 =	simm.s32 @p0 $0x1  }
0x13: {  	[smem:$0x3FAC] =	sst s0;
	s0 =	simm.s32 @!p1 $0x0  }
0x14: {  	s2 =	sld [smem:$0x3F90];
	s0 =	simm.s32 @p1 $0x1  }
0x15: {  	[smem:$0x3FAD] =	sst s0;
	s0 =	simm.s32 @!p2 $0x0  }
0x16: {  	s3 =	sld [smem:$0x3FDB];
	s0 =	simm.s32 @p2 $0x1  }
0x17: {  	s4 =	simm.s32 $0x1BF5;
	[smem:$0x3FAF] =	sst s0  }
0x18: {  	s0 =	sld [smem:$0x3F92];
	_ =	swait.ge [sflag:s4], $0x0  }
0x19: {  	s7 =	sld [smem:$0x3F93]  }
0x1a: {  	s8 =	sadd.s32 $0xFFFFE003, lr  }
0x1b: {  	s9 =	sadd.s32 $0xFFFFFEF7, lr;
	s5 =	simm.s32 $0xFFFFFFFF;
	p2 =	slt.u32 s8, $0xFFFFF086  }
0x1c: {  	p1 =	slt.u32 s9, $0xF7A;
	s5 =	simm.s32 @!p2 $0x0  }
0x1d: {  	s5 =	simm.s32 @p1 $0x1;
	p0 =	seq.s32 s7, s2  }
0x1e: {  	s7 =	smul.u32 @!p0 $0xF7A, s2;
	p2 =	seq.s32 @!p0 s5, $0x0  }
0x1f: {  	s9 =	smul.u32 $0xF7A, s1;
	s8 =	simm.s32 @!p0 $0x1BF5;
	p2 =	por !p2, p0  }
0x20: {  	[sflag:s8] =	ssyncset.s32 @!p0 $0xFFFFF086;
	s6 =	sadd.s32 @!p0 s3, s7;
	s7 =	simm.s32 @!p0 $0x108  }
0x21: {  	s3 =	sadd.s32 s3, s9;
	s6 =	sadd.s32 @!p0 $0x88, s6;
	s7 =	simm.s32 @p2 $0x1082  }
0x22: {  	[simem:s7], [sflag:s8] =	dma.local @!p0 [hbm:s6], $0xF7A  }
0x23: {  	s9 =	sor.u32 $0xD0000000, s2;
	s6 =	simm.s32 $0x108;
	_ =	swait.ge @!p0 [sflag:s8], $0x0  }
0x24: {  	s3 =	sadd.s32 $0x88, s3;
	s6 =	simm.s32 @!p1 $0x1082;
	[sflag:s4] =	ssyncset.s32 $0xFFFFF086  }
0x25: {  	[simem:s6], [sflag:s4] =	dma.local [hbm:s3], $0xF7A  }
0x26: {  	[smem:$0x3F93] =	sst s1;
	(tag) =	ssettag s2;
	_ =	strace s9  }
0x27: {  	s1 =	sld [smem:$0x3FA3]  }
0x28: {  	s2 =	sld [smem:$0x3FA4]  }
0x29: {  	s4 =	sld [smem:$0x3FA6]  }
0x2a: {  	p0 =	seq.s32 s5, $0x0;
	s5 =	sld [smem:$0x3FA7]  }
0x2b: {  	s6 =	sld [smem:$0x3FA8]  }
0x2c: {  	s7 =	sld [smem:$0x3FA9]  }
0x2d: {  	s3 =	simm.s32 $0x108;
	s8 =	sld [smem:$0x3FAA]  }
0x2e: {  	s3 =	simm.s32 @!p0 $0x1082;
	s9 =	sld [smem:$0x3FAB]  }
0x2f: {  	lr =	sadd.s32 s0, s3;
	s0 =	sld [smem:$0x3FA2]  }
0x30: {  	s3 =	sld [smem:$0x3FA5]  }
0x31: {  	[smem:$0x3FAE] =	sst s10  }
0x32: {  	s10 =	sld [smem:$0x3FAC];
	_ =	sdelay $0x3  }
0x33: {  	p0 =	seq.s32 s10, $0x1;
	s10 =	sld [smem:$0x3FAE];
	_ =	sdelay $0x3  }
0x34: {  	[smem:$0x3FAE] =	sst s10  }
0x35: {  	s10 =	sld [smem:$0x3FAD];
	_ =	sdelay $0x3  }
0x36: {  	p1 =	seq.s32 s10, $0x1;
	s10 =	sld [smem:$0x3FAE];
	_ =	sdelay $0x3  }
0x37: {  	[smem:$0x3FAE] =	sst s10  }
0x38: {  	s10 =	sld [smem:$0x3FAF]  }
0x39: {  	_ = 	snop;
	(pc) =	sbr.ind lr, $3  }
0x3a: {  	_ = 	snop  }
0x3b: {  	_ = 	snop  }
0x3c: {  	p2 =	seq.s32 s10, $0x1;
	s10 =	sld [smem:$0x3FAE]  }
0x3d: {  	_ =	shalt  }
0x3e: {  	_ =	shalt  }
0x3f: {  	_ =	shalt  }
0x40: {  	_ =	shalt  }
0x41: {  	_ =	shalt  }
0x42: {  	_ =	shalt  }
0x43: {  	_ =	shalt  }
0x44: {  	_ =	shalt  }
0x45: {  	_ =	shalt  }
0x46: {  	_ =	shalt  }
0x47: {  	_ =	shalt  }
0x48: {  	_ =	shalt  }
0x49: {  	_ =	shalt  }
0x4a: {  	_ =	shalt  }
0x4b: {  	_ =	shalt  }
0x4c: {  	_ =	shalt  }
0x4d: {  	_ =	shalt  }
0x4e: {  	_ =	shalt  }
0x4f: {  	_ =	shalt  }
0x50: {  	_ =	shalt  }
0x51: {  	_ =	shalt  }
0x52: {  	_ =	shalt  }
0x53: {  	_ =	shalt  }
0x54: {  	_ =	shalt  }
0x55: {  	_ =	shalt  }
0x56: {  	_ =	shalt  }
0x57: {  	_ =	shalt  }
0x58: {  	_ =	shalt  }
0x59: {  	_ =	shalt  }
0x5a: {  	_ =	shalt  }
0x5b: {  	_ =	shalt  }
0x5c: {  	_ =	shalt  }
0x5d: {  	_ =	shalt  }
0x5e: {  	_ =	shalt  }
0x5f: {  	_ =	shalt  }
0x60: {  	_ =	shalt  }
0x61: {  	_ =	shalt  }
0x62: {  	_ =	shalt  }
0x63: {  	_ =	shalt  }
0x64: {  	_ =	shalt  }
0x65: {  	_ =	shalt  }
0x66: {  	_ =	shalt  }
0x67: {  	_ =	shalt  }
0x68: {  	_ =	shalt  }
0x69: {  	_ =	shalt  }
0x6a: {  	_ =	shalt  }
0x6b: {  	_ =	shalt  }
0x6c: {  	_ =	shalt  }
0x6d: {  	_ =	shalt  }
0x6e: {  	_ =	shalt  }
0x6f: {  	_ =	shalt  }
0x70: {  	_ =	shalt  }
0x71: {  	_ =	shalt  }
0x72: {  	_ =	shalt  }
0x73: {  	_ =	shalt  }
0x74: {  	_ =	shalt  }
0x75: {  	_ =	shalt  }
0x76: {  	_ =	shalt  }
0x77: {  	_ =	shalt  }
0x78: {  	_ =	shalt  }
0x79: {  	_ =	shalt  }
0x7a: {  	_ =	shalt  }
0x7b: {  	_ =	shalt  }
0x7c: {  	_ =	shalt  }
0x7d: {  	_ =	shalt  }
0x7e: {  	_ =	shalt  }
0x7f: {  	_ =	shalt  }
0x80: {  	_ =	shalt  }
0x81: {  	_ =	shalt  }
0x82: {  	_ =	shalt  }
0x83: {  	_ =	shalt  }
0x84: {  	_ =	shalt  }
0x85: {  	_ =	shalt  }
0x86: {  	_ =	shalt  }
0x87: {  	_ =	shalt  }
.Lfunc_end0:
.L_simem_size_0:
called_computation.1_lowered:
.L_overlay_start_0:
0x88: {  	s2 =	sld [smem:$0x3FD9]  }
0x89: {  	s3 =	sld [smem:$0x3FFE];
	_ =	sdelay $0x1  }
0x8a: {  	s1 =	srdreg.scid  }
0x8b: {  	s0 =	sand.u32 $0x1, s1  }
0x8c: {  	s17 =	sshll.u32 s0, $0xA;
	s2 =	sadd.s32 s3, s2  }
0x8d: {  	s2 =	sadd.s32 s2, s17  }
0x8e: {  	[smem:$0x3FBA] =	sst s2  }
0x8f: {  	_ = 	snop  }
0x90: {  	s2 =	sld [smem:$0x3FD0];
	(tm) =	ssettm $0x1  }
0x91: {  	s18 =	sld [smem:$0x3FFB];
	_ =	sdelay $0x3  }
0x92: {  	_ =	strace s18  }
0x93: {  	s3 =	sld [smem:$0x3FFC];
	_ =	sdelay $0x3  }
0x94: {  	_ =	strace s3  }
0x95: {  	s3 =	sld [smem:$0x3FFD];
	_ =	sdelay $0x3  }
0x96: {  	_ =	strace s3  }
0x97: {  	_ =	strace $0x8FFFFFFF  }
0x98: {  	s19 =	sld [smem:$0x3FDB];
	_ =	sdelay $0x1  }
0x99: {  	s4 =	simm.s32 $_scs_section_size  }
0x9a: {  	s5 =	simm.s32 $_size__tile_overlayer_lowered;
	s6 =	simm.s32 $_tile_overlayer_lowered  }
0x9b: {  	s22 =	simm.s32 $0x1BFF;
	s21 =	sshll.u32 s6, $0x1;
	s3 =	sadd.s32 s4, s19  }
0x9c: {  	s7 =	simm.s32 $0x0;
	s20 =	sshll.u32 s5, $0x1;
	s5 =	sadd.s32 s21, s3  }
0x9d: {  	[timem:s7], [sflag:s22] =	dma.local [hbm:s5], s20  }
0x9e: {  	_ =	swait.ge [sflag:s22], s20  }
0x9f: {  	s4 =	ssub.s32 $0x0, s20;
	[sflag:s22] =	ssyncset.done $0x0  }
0xa0: {  	[sflag:s22] =	ssyncadd.s32 s4;
	_ =	sdelay $0x1  }
0xa1: {  	s23 =	simm.s32 $0x1B8B  }
0xa2: {  	_ =	swait.ge [sflag:s23], $0x1  }
0xa3: {  	[sflag:s23] =	ssyncset.done $0x0  }
0xa4: {  	s25 =	simm.s32 $0x1B8E;
	s24 =	sld [smem:$0x3FFE];
	[sflag:s23] =	ssyncadd.s32 $0xFFFFFFFF  }
0xa5: {  	s26 =	simm.s32 $execute0_lowered;
	[smem:$0x3FD2] =	sst s25  }
0xa6: {  	s5 =	sshll.u32 s26, $0x1;
	_ =	strace $0x80000049;
	[dreg:$0x1] =	wrdreg $0xFFFFFFFF  }
0xa7: {  	s28 =	simm.s32 $_size_execute0_lowered;
	s3 =	sadd.s32 s3, s5;
	[dreg:$0x0] =	wrdreg $0x0  }
0xa8: {  	s5 =	sshll.u32 s28, $0x1;
	[dreg:$0x2] =	wrdreg s3  }
0xa9: {  	[dreg:$0x3] =	wrdreg s5  }
0xaa: {  	[dreg:$0x4] =	wrdreg $0xC0  }
0xab: {  	_ =	task [dreg:s7], $0x5FFFF  }
0xac: {  	[dreg:$0x1] =	wrdreg $0xFFFFFFFF  }
0xad: {  	[dreg:$0x0] =	wrdreg $0x60  }
0xae: {  	[dreg:$0x2] =	wrdreg s24  }
0xaf: {  	[dreg:$0x3] =	wrdreg s2  }
0xb0: {  	[dreg:$0x4] =	wrdreg $0x79000  }
0xb1: {  	[dreg:$0x5] =	wrdreg $0x9  }
0xb2: {  	_ =	task.clear_ibuf [dreg:s7], $0x6FFFF;
	_ =	strace $0x90000049  }
0xb3: {  	s29 =	simm.s32 $0x9;
	_ =	strace $0x8000004B  }
0xb4: {  	_ =	swait.ge [sflag:s29], $0x1  }
0xb5: {  	[sflag:s29] =	ssyncadd.s32 $0xFFFFFFFF  }
0xb6: {  	_ =	strace $0x9000004B  }
0xb7: {  	_ =	sfence  }
0xb8: {  	s30 =	sld [smem:$0x0];
	_ =	sdelay $0x2  }
0xb9: {  	s31 =	sshll.u32 s1, $0xD;
	s1 =	sshrl.u32 s1, $0x2  }
0xba: {  	s3 =	sand.u32 $0x4000, s31;
	s1 =	sadd.s32 s1, s30  }
0xbb: {  	s0 =	sor.u32 s3, s0;
	s1 =	sshll.u32 s1, $0x11  }
0xbc: {  	s0 =	sor.u32 s1, s0  }
0xbd: {  	s0 =	sadd.s32 $0x8F2B, s0  }
0xbe: {  	[sflag:s0] =	ssyncadd.remote.s32 $0x1  }
0xbf: {  	_ =	sfence.sel $0xFFFF  }
0xc0: {  	[dreg:$0x0] =	wrdreg $0xFFFFFFFF;
	(pc) =	sbr.abs _section_cstart, $3  }
0xc1: {  	[dreg:$0x1] =	wrdreg $0xFFFFFFFF  }
0xc2: {  	_ =	task.clear_ibuf [dreg:s7], $0x2FFFF;
	_ =	strace $0x9FFFFFFF  }
0xc3: {  	(tm) =	ssettm $0x7FFFFFFF  }
tec
execute0_lowered:
.L_overlay_start_1:
0x0: {  	(tag) =	ssettag $0x1  }
0x1: {  	s0 =	rddreg [dreg:$0x0]  }
0x2: {  	s1 =	rddreg [dreg:$0x1]  }
0x3: {  	s2 =	rddreg [dreg:$0x2];
	s3 =	simm.s32 $0x0;
	s4 =	srdreg.scid  }
0x4: {  	s13 =	stileid.u32;
	s20 =	simm.s32 $0x1B900;
	s21 =	simm.s32 $0x3  }
0x5: {  	s22 =	simm.s32 $0x80;
	s23 =	simm.s32 $0x50;
	s24 =	simm.s32 $0x100  }
0x6: {  	s28 =	simm.s32 $0x2;
	s29 =	simm.s32 $0x5100;
	s30 =	simm.s32 $0x0  }
0x7: {  	s31 =	simm.s32 $0x0;
	[smem:$0x7FF] =	sst s3;
	s5 =	sadd.s32 $0x2A00, s0  }
0x8: {  	s4 =	sand.u32 $0x1, s4;
	s6 =	sadd.s32 $0xC800, s0;
	s9 =	smul.u32 $0x50000, s13  }
0x9: {  	s7 =	sadd.s32 $0x33A00, s0;
	s0 =	sadd.s32 $0x5AC00, s0;
	s12 =	smul.u32 $0x14000, s13  }
0xa: {  	_ =	strace $0x8000004A;
	s8 =	ssub.s32 $0x2, s4;
	s11 =	sshll.u32 s4, $0x4  }
0xb: {  	s4 =	smul.u32 $0x140000, s4;
	s10 =	sshrl.u32 s8, $0x1;
	s9 =	sshrl.u32 s9, $0x2  }
0xc: {  	s13 =	sor.u32 s13, s11;
	s15 =	sadd.s32 $0x4000, s12;
	s16 =	sadd.s32 $0x8000, s12  }
0xd: {  	s17 =	sadd.s32 $0xC000, s12;
	s18 =	sadd.s32 $0x10000, s12;
	s14 =	ssub.s32 s8, s10  }
0xe: {  	s8 =	sadd.s32 s9, s2;
	s9 =	sadd.s32 s15, s2;
	s10 =	sadd.s32 s16, s2  }
0xf: {  	s11 =	sadd.s32 s17, s2;
	s19 =	sadd.s32 s12, s4;
	s12 =	sadd.s32 s18, s2  }
0x10: {  	s15 =	sadd.s32 s4, s15;
	s13 =	smul.u32 $0x2710, s13;
	s25 =	sadd.s32 s4, s16  }
0x11: {  	s26 =	sadd.s32 s4, s17;
	s4 =	sadd.s32 s4, s18;
	s19 =	sshrl.u32 s19, $0x3  }
0x12: {  	s15 =	sshrl.u32 s15, $0x3;
	s16 =	sshrl.u32 s26, $0x3;
	s4 =	sshrl.u32 s4, $0x3  }
0x13: {  	s26 =	simm.s32 $0x1;
	s19 =	sadd.s32 s0, s19;
	s15 =	sadd.s32 s0, s15  }
0x14: {  	s17 =	sadd.s32 s0, s16;
	[dreg:$0x5] =	wrdreg s15;
	s15 =	sshrl.u32 s25, $0x3  }
0x15: {  	s18 =	sadd.s32 s0, s4;
	[dreg:$0x4] =	wrdreg s19;
	s15 =	sadd.s32 s0, s15  }
0x16: {  	v0 =	vimm.f32 $0.0e+00;
	s19 =	smax.u32 s14, $0x1;
	s25 =	simm.s32 $0x2900;
	[dreg:$0x6] =	wrdreg s15  }
.LBB2_1:
0x17: {  	s0 =	simm.s32 $0x0;
	s4 =	simm.s32 $0x200  }
.LBB2_2:
0x18: {  	p0 =	sne.s32 s4, $0xFE00;
	[tilespmem:s0+$0x1B970] =	vst v0  }
0x19: {  	[tilespmem:s0+$0x1B900] =	vst v0  }
0x1a: {  	[tilespmem:s0+$0x1B910] =	vst v0  }
.Ltmp0:
0x1b: {  	[tilespmem:s0+$0x1B920] =	vst v0;
	(pc) =	sbr.rel @p0 .LBB2_2-.Ltmp0, $4  }
0x1c: {  	[tilespmem:s0+$0x1B930] =	vst v0  }
0x1d: {  	[tilespmem:s0+$0x1B940] =	vst v0  }
0x1e: {  	[tilespmem:s0+$0x1B950] =	vst v0  }
0x1f: {  	[tilespmem:s0+$0x1B960] =	vst v0;
	s0 =	sshra.s32 s4, $0x2;
	s4 =	sadd.s32 $0x200, s4  }
0x20: {  	[tilespmem:s0+$0x1B970] =	vst v0  }
0x21: {  	[tilespmem:s0+$0x1B900] =	vst v0  }
0x22: {  	[tilespmem:s0+$0x1B910] =	vst v0  }
0x23: {  	[tilespmem:s0+$0x1B920] =	vst v0  }
0x24: {  	[tilespmem:s0+$0x1B930] =	vst v0  }
0x25: {  	[tilespmem:s0+$0x1B940] =	vst v0  }
0x26: {  	[tilespmem:s0+$0x1B950] =	vst v0  }
0x27: {  	[tilespmem:s0+$0x1B960] =	vst v0  }
0x28: {  	[spmem:s8] =	stream.linear.scatter [tilespmem:s20], [sflag:$0x3], $0x4000, $0x38;
	[tilespmem:$0x1F900] =	vst v63  }
0x29: {  	_ =	swait.ge [sflag:s21], $0x4000  }
0x2a: {  	[sflag:s21] =	ssyncset.done $0x0  }
0x2b: {  	[sflag:s21] =	ssyncadd.s32 $0xFFFFC000  }
0x2c: {  	[spmem:s9] =	stream.linear.scatter [tilespmem:s20], [sflag:$0x3], $0x4000, $0x38;
	[tilespmem:$0x1F900] =	vst v63  }
0x2d: {  	_ =	swait.ge [sflag:s21], $0x4000  }
0x2e: {  	[sflag:s21] =	ssyncset.done $0x0  }
0x2f: {  	[sflag:s21] =	ssyncadd.s32 $0xFFFFC000  }
0x30: {  	[spmem:s10] =	stream.linear.scatter [tilespmem:s20], [sflag:$0x3], $0x4000, $0x38;
	[tilespmem:$0x1F900] =	vst v63  }
0x31: {  	_ =	swait.ge [sflag:s21], $0x4000  }
0x32: {  	[sflag:s21] =	ssyncset.done $0x0  }
0x33: {  	[sflag:s21] =	ssyncadd.s32 $0xFFFFC000  }
0x34: {  	[spmem:s11] =	stream.linear.scatter [tilespmem:s20], [sflag:$0x3], $0x4000, $0x38;
	[tilespmem:$0x1F900] =	vst v63  }
0x35: {  	_ =	swait.ge [sflag:s21], $0x4000  }
0x36: {  	[sflag:s21] =	ssyncset.done $0x0  }
0x37: {  	[sflag:s21] =	ssyncadd.s32 $0xFFFFC000  }
0x38: {  	[spmem:s12] =	stream.linear.scatter [tilespmem:s20], [sflag:$0x3], $0x4000, $0x38;
	[tilespmem:$0x1F900] =	vst v63  }
0x39: {  	_ =	swait.ge [sflag:s21], $0x4000  }
0x3a: {  	[sflag:s21] =	ssyncset.done $0x0  }
0x3b: {  	[sflag:s21] =	ssyncadd.s32 $0xFFFFC000  }
0x3c: {  	s0 =	simm.s32 $0x0;
	[bflag:$0x0] =	sbarrier.arrive $0xFFFF  }
.LBB2_4:
0x3d: {  	s4 =	smul.u32 $0x50, s0;
	_ =	sdelay $0x1  }
0x3e: {  	s4 =	sadd.s32 s13, s4  }
0x3f: {  	s4 =	sshrl.u32 s4, $0x3  }
0x40: {  	s14 =	sadd.s32 s5, s4  }
0x41: {  	[tilespmem:s31], [sflag:$0x3] =	stream.linear.gather [hbm4b:s14+s31], $0x50, $0x38;
	[tilespmem:$0x1F900] =	vst v63  }
0x42: {  	_ =	swait.ge [sflag:s21], $0x50  }
0x43: {  	[sflag:s21] =	ssyncset.done $0x0  }
0x44: {  	s4 =	sadd.s32 s1, s4;
	[sflag:s21] =	ssyncadd.s32 $0xFFFFFFB0  }
0x45: {  	[tilespmem:s22], [sflag:$0x3] =	stream.linear.gather [hbm4b:s4+s31], $0x50, $0x38;
	[tilespmem:$0x1F900] =	vst v63  }
0x46: {  	_ =	swait.ge [sflag:s21], $0x50  }
0x47: {  	[sflag:s21] =	ssyncset.done $0x0  }
0x48: {  	[sflag:s21] =	ssyncadd.s32 $0xFFFFFFB0  }
0x49: {  	[tilespmem:s24], [sflag:$0x1] =	stream.indirect.gather [hbm4b:s6+s23], $0x80, s31, s23, $0xb8;
	[tilespmem:$0x1F900] =	vst v63  }
0x4a: {  	_ = 	snop  }
0x4b: {  	[tilespmem:s25], [sflag:$0x2] =	stream.indirect.gather [hbm4b:s7+s23], $0x80, s22, s23, $0xb8;
	[tilespmem:$0x1F900] =	vst v63  }
0x4c: {  	_ =	swait.ge [sflag:s26], $0x2800  }
0x4d: {  	[sflag:s26] =	ssyncset.done $0x0  }
0x4e: {  	[sflag:s26] =	ssyncadd.s32 $0xFFFFD800  }
0x4f: {  	_ =	swait.ge [sflag:s28], $0x2800  }
0x50: {  	[sflag:s28] =	ssyncset.done $0x0  }
0x51: {  	s14 =	simm.s32 $0x0;
	[sflag:s28] =	ssyncadd.s32 $0xFFFFD800  }
0x52: {  	v1 =	vld [tilespmem:s14+$0x130]  }
0x53: {  	v2 =	vld [tilespmem:s14+$0x2930]  }
0x54: {  	v4 =	vld [tilespmem:s14+$0x100]  }
0x55: {  	v5 =	vld [tilespmem:s14+$0x2900]  }
0x56: {  	v6 =	vld [tilespmem:s14+$0x110]  }
0x57: {  	v7 =	vld [tilespmem:s14+$0x2910]  }
0x58: {  	v8 =	vld [tilespmem:s14+$0x120];
	v1 =	vadd.f32 v2, v1  }
0x59: {  	v9 =	vld [tilespmem:s14+$0x2920]  }
0x5a: {  	v10 =	vmul.f32 $2.000000030e-01, v1  }
0x5b: {  	s4 =	simm.s32 $0x80;
	v3 =	vld [tilespmem:s14+$0x140];
	v4 =	vadd.f32 v5, v4;
	vm0 =	vgt.f32 v1, $0.0e+00  }
0x5c: {  	v11 =	vld [tilespmem:s4+$0x130];
	v6 =	vadd.f32 v7, v6;
	v10 =	vsel vm0, v1, v10  }
0x5d: {  	v13 =	vld [tilespmem:s4+$0x110];
	v7 =	vmul.f32 $2.000000030e-01, v4;
	v10 =	vmul.f32 $1.442695020e+00, v10  }
0x5e: {  	v14 =	vld [tilespmem:s4+$0x2910];
	v8 =	vadd.f32 v9, v8;
	v12 =	vmul.f32 $2.000000030e-01, v6;
	vm0 =	vgt.f32 v4, $0.0e+00  }
0x5f: {  	v5 =	vld [tilespmem:s4+$0x2930];
	v4 =	vsel vm0, v4, v7;
	vm0 =	vgt.f32 v6, $0.0e+00;
	(erf) = vpow2.f32 v10  }
0x60: {  	v9 =	vld [tilespmem:s4+$0x2900];
	v4 =	vmul.f32 $1.442695020e+00, v4;
	v6 =	vsel vm0, v6, v12  }
0x61: {  	v7 =	vmul.f32 $2.000000030e-01, v8;
	v10 =	vld [tilespmem:s4+$0x100];
	v6 =	vmul.f32 $1.442695020e+00, v6  }
0x62: {  	v2 =	vld [tilespmem:s14+$0x150];
	vm0 =	vgt.f32 v8, $0.0e+00;
	(erf) = vpow2.f32 v4  }
0x63: {  	v1 =	vld [tilespmem:s14+$0x160];
	v8 =	vsel vm0, v8, v7;
	(erf) = vpow2.f32 v6  }
0x64: {  	v11 =	vadd.f32 v5, v11;
	v12 =	vld [tilespmem:s14+$0x170];
	v4 =	vmul.f32 $1.442695020e+00, v8  }
0x65: {  	v7 =	vld [tilespmem:s4+$0x120]  }
0x66: {  	v8 =	vld [tilespmem:s4+$0x2920];
	(erf) = vpow2.f32 v4;
	v15 =	vadd.f32 v9, v10;
	v9 =	vmul.f32 $2.000000030e-01, v11  }
0x67: {  	vm0 =	vgt.f32 v11, $0.0e+00;
	v6 =	vld [tilespmem:s4+$0x140]  }
0x68: {  	v5 =	vld [tilespmem:s4+$0x150];
	v10 =	vadd.f32 v14, v13;
	v16 =	vmul.f32 $2.000000030e-01, v15;
	v9 =	vsel vm0, v11, v9;
	v13 =	vpop (erf)  }
0x69: {  	s15 =	simm.s32 $0x100;
	v4 =	vld [tilespmem:s4+$0x160];
	vm0 =	vgt.f32 v15, $0.0e+00;
	v11 =	vmul.f32 $1.442695020e+00, v9;
	[tilespmem:s14+$0x5130] =	vst v13;
	v14 =	vmul.f32 v13, v12  }
0x6a: {  	s16 =	simm.s32 $0x600;
	v13 =	vsel vm0, v15, v16;
	vm0 =	vgt.f32 v10, $0.0e+00;
	v12 =	vmul.f32 $2.000000030e-01, v10;
	v9 =	vld [tilespmem:s15+$0x130]  }
.LBB2_5:
0x6b: {  	p0 =	sne.s32 s16, $0x9E00;
	v15 =	vld [tilespmem:s15+$0x2930];
	v13 =	vmul.f32 $1.442695020e+00, v13;
	v7 =	vadd.f32 v8, v7;
	(erf) = vpow2.f32 v11;
	[tilespmem:s14+$0x5170] =	vst v14;
	v8 =	vpop (erf)  }
0x6c: {  	v11 =	vld [tilespmem:s15+$0x100];
	v10 =	vsel vm0, v10, v12;
	[tilespmem:s14+$0x5100] =	vst v8;
	v8 =	vmul.f32 v8, v3;
	v12 =	vpop (erf);
	v3 =	vmov v6  }
0x6d: {  	v6 =	vld [tilespmem:s15+$0x2900];
	v17 =	vmul.f32 $1.442695020e+00, v10;
	vm0 =	vgt.f32 v7, $0.0e+00;
	v14 =	vmul.f32 $2.000000030e-01, v7;
	[tilespmem:s14+$0x5110] =	vst v12  }
0x6e: {  	v16 =	vld [tilespmem:s15+$0x110];
	(erf) = vpow2.f32 v13;
	[tilespmem:s14+$0x5140] =	vst v8;
	v8 =	vmul.f32 v12, v2;
	v2 =	vmov v5  }
0x6f: {  	v12 =	vld [tilespmem:s15+$0x2910];
	v5 =	vsel vm0, v7, v14;
	(erf) = vpow2.f32 v17;
	v10 =	vpop (erf)  }
0x70: {  	v9 =	vadd.f32 v15, v9;
	v5 =	vmul.f32 $1.442695020e+00, v5;
	v13 =	vld [tilespmem:s4+$0x170];
	[tilespmem:s14+$0x5150] =	vst v8;
	v14 =	vmul.f32 v10, v1;
	v1 =	vmovc v4  }
0x71: {  	v7 =	vld [tilespmem:s15+$0x120];
	[tilespmem:s14+$0x5120] =	vst v10  }
.Ltmp1:
0x72: {  	v15 =	vadd.f32 v6, v11;
	v8 =	vld [tilespmem:s15+$0x2920];
	v4 =	vmul.f32 $2.000000030e-01, v9;
	(erf) = vpow2.f32 v5;
	[tilespmem:s14+$0x5160] =	vst v14;
	s14 =	smov.u32 s4;
	s4 =	smov.u32 s15;
	(pc) =	sbr.rel @p0 .LBB2_5-.Ltmp1, $4  }
0x73: {  	vm0 =	vgt.f32 v9, $0.0e+00;
	v6 =	vld [tilespmem:s4+$0x140]  }
0x74: {  	v17 =	vmul.f32 $2.000000030e-01, v15;
	v5 =	vld [tilespmem:s4+$0x150];
	v10 =	vadd.f32 v12, v16;
	v9 =	vsel vm0, v9, v4;
	v12 =	vpop (erf)  }
0x75: {  	s15 =	sshra.s32 s16, $0x2;
	vm0 =	vgt.f32 v15, $0.0e+00;
	v4 =	vld [tilespmem:s4+$0x160];
	v11 =	vmul.f32 $1.442695020e+00, v9;
	[tilespmem:s14+$0x5130] =	vst v12;
	v14 =	vmul.f32 v12, v13  }
0x76: {  	s16 =	sadd.s32 $0x200, s16;
	v9 =	vld [tilespmem:s15+$0x130];
	v13 =	vsel vm0, v15, v17;
	vm0 =	vgt.f32 v10, $0.0e+00;
	v12 =	vmul.f32 $2.000000030e-01, v10  }
0x77: {  	v15 =	vld [tilespmem:s15+$0x2930];
	[tilespmem:s14+$0x5170] =	vst v14;
	v46 =	vpop (erf)  }
0x78: {  	v16 =	vld [tilespmem:s15+$0x100];
	[tilespmem:s14+$0x5100] =	vst v46;
	v17 =	vpop (erf);
	v3 =	vmul.f32 v46, v3  }
0x79: {  	(erf) = vpow2.f32 v11;
	v18 =	vld [tilespmem:s15+$0x2900];
	[tilespmem:s14+$0x5110] =	vst v17  }
0x7a: {  	v7 =	vadd.f32 v8, v7;
	v2 =	vmul.f32 v17, v2;
	v47 =	vld [tilespmem:s15+$0x110];
	[tilespmem:s14+$0x5140] =	vst v3  }
0x7b: {  	v48 =	vmul.f32 $1.442695020e+00, v13;
	v49 =	vsel vm0, v10, v12;
	v3 =	vld [tilespmem:s15+$0x2910]  }
0x7c: {  	v8 =	vmul.f32 $1.442695020e+00, v49;
	v50 =	vld [tilespmem:s4+$0x170];
	[tilespmem:s14+$0x5150] =	vst v2;
	v2 =	vmul.f32 $2.000000030e-01, v7;
	v51 =	vpop (erf)  }
0x7d: {  	(erf) = vpow2.f32 v48;
	vm11 =	vgt.f32 v7, $0.0e+00;
	v52 =	vld [tilespmem:s15+$0x120];
	v53 =	vadd.f32 v15, v9;
	[tilespmem:s14+$0x5120] =	vst v51  }
0x7e: {  	(erf) = vpow2.f32 v8;
	v2 =	vsel vm11, v7, v2;
	v54 =	vld [tilespmem:s15+$0x2920]  }
0x7f: {  	v2 =	vmul.f32 $1.442695020e+00, v2;
	v9 =	vmul.f32 $2.000000030e-01, v53  }
0x80: {  	v1 =	vmul.f32 v51, v1;
	v55 =	vadd.f32 v18, v16;
	vm12 =	vgt.f32 v53, $0.0e+00  }
0x81: {  	(erf) = vpow2.f32 v2;
	v2 =	vadd.f32 v3, v47;
	v3 =	vsel vm12, v53, v9  }
0x82: {  	v56 =	vmul.f32 $2.000000030e-01, v55;
	v58 =	vpop (erf);
	vm13 =	vgt.f32 v55, $0.0e+00;
	v3 =	vmul.f32 $1.442695020e+00, v3  }
0x83: {  	[tilespmem:s14+$0x5160] =	vst v1;
	v10 =	vmul.f32 v58, v50;
	v60 =	vmul.f32 $2.000000030e-01, v2;
	v7 =	vadd.f32 v54, v52  }
0x84: {  	v1 =	vld [tilespmem:s15+$0x140];
	v8 =	vsel vm13, v55, v56;
	vm14 =	vgt.f32 v2, $0.0e+00;
	(erf) = vpow2.f32 v3  }
0x85: {  	v57 =	vld [tilespmem:s15+$0x150];
	v3 =	vmul.f32 $1.442695020e+00, v8;
	v2 =	vsel vm14, v2, v60;
	v62 =	vmul.f32 $2.000000030e-01, v7  }
0x86: {  	v59 =	vld [tilespmem:s15+$0x160];
	[tilespmem:s4+$0x5130] =	vst v58;
	v61 =	vpop (erf);
	vm15 =	vgt.f32 v7, $0.0e+00;
	v2 =	vmul.f32 $1.442695020e+00, v2  }
0x87: {  	[tilespmem:s4+$0x5170] =	vst v10;
	v6 =	vmul.f32 v61, v6;
	(erf) = vpow2.f32 v3;
	v3 =	vsel vm15, v7, v62  }
0x88: {  	[tilespmem:s4+$0x5100] =	vst v61;
	v63 =	vpop (erf);
	(erf) = vpow2.f32 v2;
	v2 =	vmul.f32 $1.442695020e+00, v3  }
0x89: {  	[tilespmem:s4+$0x5110] =	vst v63  }
0x8a: {  	[tilespmem:s4+$0x5140] =	vst v6  }
0x8b: {  	v5 =	vmul.f32 v63, v5;
	v3 =	vld [tilespmem:s15+$0x170]  }
0x8c: {  	(erf) = vpow2.f32 v2;
	v2 =	vpop (erf)  }
0x8d: {  	[tilespmem:s4+$0x5150] =	vst v5;
	v4 =	vmul.f32 v2, v4  }
0x8e: {  	[tilespmem:s4+$0x5120] =	vst v2  }
0x8f: {  	v2 =	vpop (erf);
	[tilespmem:s4+$0x5160] =	vst v4  }
0x90: {  	v3 =	vmul.f32 v2, v3;
	[tilespmem:s15+$0x5130] =	vst v2;
	v2 =	vpop (erf)  }
0x91: {  	v1 =	vmul.f32 v2, v1  }
0x92: {  	[tilespmem:s15+$0x5170] =	vst v3  }
0x93: {  	[tilespmem:s15+$0x5100] =	vst v2;
	v2 =	vpop (erf)  }
0x94: {  	[tilespmem:s15+$0x5110] =	vst v2;
	v2 =	vmul.f32 v2, v57  }
0x95: {  	[tilespmem:s15+$0x5140] =	vst v1;
	v1 =	vpop (erf)  }
0x96: {  	s0 =	sadd.s32 $0x1, s0;
	[tilespmem:s15+$0x5150] =	vst v2;
	v2 =	vmul.f32 v1, v59  }
0x97: {  	p0 =	sne.s32 s0, $0x7D;
	[tilespmem:s15+$0x5120] =	vst v1  }
.Ltmp2:
0x98: {  	[tilespmem:s15+$0x5160] =	vst v2;
	(pc) =	sbr.rel @p0 .LBB2_4-.Ltmp2, $4  }
0x99: {  	[spmem:s2] =	stream.indirect.scatter.add.f32 [tilespmem:s29], [sflag:$0x3], $0x80, s22, s23, $0xb8;
	[tilespmem:$0x1F900] =	vst v63  }
0x9a: {  	_ =	swait.ge [sflag:s21], $0x2800  }
0x9b: {  	[sflag:s21] =	ssyncset.done $0x0  }
0x9c: {  	[sflag:s21] =	ssyncadd.s32 $0xFFFFD800  }
0x9d: {  	[bflag:$0x0] =	sbarrier.arrive $0xFFFF  }
0x9e: {  	[tilespmem:s20], [sflag:$0x3] =	stream.linear.gather [spmem:s8], $0x4000, $0x38;
	[tilespmem:$0x1F900] =	vst v63  }
0x9f: {  	_ =	swait.ge [sflag:s21], $0x4000  }
0xa0: {  	[sflag:s21] =	ssyncset.done $0x0  }
0xa1: {  	s0 =	rddreg [dreg:$0x4];
	[sflag:s21] =	ssyncadd.s32 $0xFFFFC000  }
0xa2: {  	[hbm4b:s0+s3] =	stream.linear.scatter [tilespmem:s20], [sflag:$0x3], $0x4000, $0x38;
	[tilespmem:$0x1F900] =	vst v63  }
0xa3: {  	_ =	swait.ge [sflag:s21], $0x4000  }
0xa4: {  	[sflag:s21] =	ssyncset.done $0x0  }
0xa5: {  	[sflag:s21] =	ssyncadd.s32 $0xFFFFC000  }
0xa6: {  	[tilespmem:s20], [sflag:$0x3] =	stream.linear.gather [spmem:s9], $0x4000, $0x38;
	[tilespmem:$0x1F900] =	vst v63  }
0xa7: {  	_ =	swait.ge [sflag:s21], $0x4000  }
0xa8: {  	[sflag:s21] =	ssyncset.done $0x0  }
0xa9: {  	s15 =	rddreg [dreg:$0x5];
	[sflag:s21] =	ssyncadd.s32 $0xFFFFC000  }
0xaa: {  	[hbm4b:s15+s3] =	stream.linear.scatter [tilespmem:s20], [sflag:$0x3], $0x4000, $0x38;
	[tilespmem:$0x1F900] =	vst v63  }
0xab: {  	_ =	swait.ge [sflag:s21], $0x4000  }
0xac: {  	[sflag:s21] =	ssyncset.done $0x0  }
0xad: {  	[sflag:s21] =	ssyncadd.s32 $0xFFFFC000  }
0xae: {  	[tilespmem:s20], [sflag:$0x3] =	stream.linear.gather [spmem:s10], $0x4000, $0x38;
	[tilespmem:$0x1F900] =	vst v63  }
0xaf: {  	_ =	swait.ge [sflag:s21], $0x4000  }
0xb0: {  	[sflag:s21] =	ssyncset.done $0x0  }
0xb1: {  	s16 =	rddreg [dreg:$0x6];
	[sflag:s21] =	ssyncadd.s32 $0xFFFFC000  }
0xb2: {  	[hbm4b:s16+s3] =	stream.linear.scatter [tilespmem:s20], [sflag:$0x3], $0x4000, $0x38;
	[tilespmem:$0x1F900] =	vst v63  }
0xb3: {  	_ =	swait.ge [sflag:s21], $0x4000  }
0xb4: {  	[sflag:s21] =	ssyncset.done $0x0  }
0xb5: {  	[sflag:s21] =	ssyncadd.s32 $0xFFFFC000  }
0xb6: {  	[tilespmem:s20], [sflag:$0x3] =	stream.linear.gather [spmem:s11], $0x4000, $0x38;
	[tilespmem:$0x1F900] =	vst v63  }
0xb7: {  	_ =	swait.ge [sflag:s21], $0x4000  }
0xb8: {  	[sflag:s21] =	ssyncset.done $0x0  }
0xb9: {  	[sflag:s21] =	ssyncadd.s32 $0xFFFFC000  }
0xba: {  	[hbm4b:s17+s3] =	stream.linear.scatter [tilespmem:s20], [sflag:$0x3], $0x4000, $0x38;
	[tilespmem:$0x1F900] =	vst v63  }
0xbb: {  	_ =	swait.ge [sflag:s21], $0x4000  }
0xbc: {  	[sflag:s21] =	ssyncset.done $0x0  }
0xbd: {  	[sflag:s21] =	ssyncadd.s32 $0xFFFFC000  }
0xbe: {  	[tilespmem:s20], [sflag:$0x3] =	stream.linear.gather [spmem:s12], $0x4000, $0x38;
	[tilespmem:$0x1F900] =	vst v63  }
0xbf: {  	s30 =	sadd.s32 $0x1, s30;
	_ =	swait.ge [sflag:s21], $0x4000  }
0xc0: {  	p0 =	sne.s32 s30, s19;
	[sflag:s21] =	ssyncset.done $0x0  }
.Ltmp3:
0xc1: {  	[sflag:s21] =	ssyncadd.s32 $0xFFFFC000;
	(pc) =	sbr.rel @p0 .LBB2_1-.Ltmp3, $4  }
0xc2: {  	[hbm4b:s18+s3] =	stream.linear.scatter [tilespmem:s20], [sflag:$0x3], $0x4000, $0x38;
	[tilespmem:$0x1F900] =	vst v63  }
0xc3: {  	_ =	swait.ge [sflag:s21], $0x4000  }
0xc4: {  	[sflag:s21] =	ssyncset.done $0x0  }
0xc5: {  	[sflag:s21] =	ssyncadd.s32 $0xFFFFC000  }
0xc6: {  	_ =	sfence.sel $0x180000  }
0xc7: {  	[bflag:$0x0] =	sbarrier.arrive $0xFFFF  }
0xc8: {  	_ =	strace $0x9000004A  }
0xc9: {  	s0 =	stileid.u32;
	[bflag:$0x2] =	sbarrier.arrive $0xFFFF  }
0xca: {  	p0 =	sne.s32 s0, $0x0;
	s0 =	rddreg [dreg:$0x3]  }
0xcb: {  	s0 =	sadd.s32 @!p0 $0x100000, s0  }
0xcc: {  	[sflag:s0] =	ssyncadd.tile.s32 @!p0 $0x1;
	_ =	shalt  }
.Lfunc_end2:
_tile_overlayer_lowered:
.L_overlay_start_2:
0xcd: {  	(tag) =	ssettag $0x2  }
0xce: {  	s0 =	rddreg [dreg:$0x0];
	s2 =	stileid.u32  }
0xcf: {  	s1 =	rddreg [dreg:$0x1];
	p0 =	sne.s32 s2, $0x0  }
0xd0: {  	s3 =	rddreg [dreg:$0x2];
	[bflag:$0x3] =	sbarrier.arrive $0xFFFF;
	s2 =	simm.s32 @!p0 $0x1C03  }
0xd1: {  	[timem:s3], [sflag:s2] =	dma.local @!p0 [hbm:s0], s1  }
0xd2: {  	s0 =	simm.s32 @!p0 $0x3  }
0xd3: {  	_ =	swait.ge @!p0 [sflag:s0], s1  }
0xd4: {  	s1 =	ssub.s32 @!p0 $0x0, s1;
	[sflag:s0] =	ssyncset.done @!p0 $0x0  }
0xd5: {  	[sflag:s0] =	ssyncadd.s32 @!p0 s1  }
0xd6: {  	[bflag:$0x3] =	sbarrier.arrive $0xFFFF  }
0xd7: {  	_ =	shalt  }

// kernel: kernel.7.cloned.1.call-start
scs
__scs_entry_jumppad:
0x0: {  	(pc) =	sbr.rel $0x88, $3  }
0x1: {  	(tag) =	ssettag $0x0;
	lr =	simm.s32 $0x1  }
0x2: {  	[smem:$0x3F93] =	sst lr;
	_ =	strace $0xD0000000  }
0x3: {  	_ = 	snop  }
0x4: {  	_ = 	snop  }
0x5: {  	_ = 	snop  }
0x6: {  	_ = 	snop  }
0x7: {  	_ = 	snop  }
__scs_overlays_trampoline_lowered:
0x8: {  	[smem:$0x3FA2] =	sst s0  }
0x9: {  	[smem:$0x3FA3] =	sst s1  }
0xa: {  	[smem:$0x3FA4] =	sst s2  }
0xb: {  	[smem:$0x3FA5] =	sst s3  }
0xc: {  	[smem:$0x3FA6] =	sst s4  }
0xd: {  	[smem:$0x3FA7] =	sst s5  }
0xe: {  	[smem:$0x3FA8] =	sst s6  }
0xf: {  	[smem:$0x3FA9] =	sst s7  }
0x10: {  	[smem:$0x3FAA] =	sst s8  }
0x11: {  	[smem:$0x3FAB] =	sst s9;
	s0 =	simm.s32 @!p0 $0x0  }
0x12: {  	s1 =	sld [smem:$0x3F91];
	s0 =	simm.s32 @p0 $0x1  }
0x13: {  	[smem:$0x3FAC] =	sst s0;
	s0 =	simm.s32 @!p1 $0x0  }
0x14: {  	s2 =	sld [smem:$0x3F90];
	s0 =	simm.s32 @p1 $0x1  }
0x15: {  	[smem:$0x3FAD] =	sst s0;
	s0 =	simm.s32 @!p2 $0x0  }
0x16: {  	s3 =	sld [smem:$0x3FDB];
	s0 =	simm.s32 @p2 $0x1  }
0x17: {  	s4 =	simm.s32 $0x1BF5;
	[smem:$0x3FAF] =	sst s0  }
0x18: {  	s0 =	sld [smem:$0x3F92];
	_ =	swait.ge [sflag:s4], $0x0  }
0x19: {  	s7 =	sld [smem:$0x3F93]  }
0x1a: {  	s8 =	sadd.s32 $0xFFFFE003, lr  }
0x1b: {  	s9 =	sadd.s32 $0xFFFFFEF7, lr;
	s5 =	simm.s32 $0xFFFFFFFF;
	p2 =	slt.u32 s8, $0xFFFFF086  }
0x1c: {  	p1 =	slt.u32 s9, $0xF7A;
	s5 =	simm.s32 @!p2 $0x0  }
0x1d: {  	s5 =	simm.s32 @p1 $0x1;
	p0 =	seq.s32 s7, s2  }
0x1e: {  	s7 =	smul.u32 @!p0 $0xF7A, s2;
	p2 =	seq.s32 @!p0 s5, $0x0  }
0x1f: {  	s9 =	smul.u32 $0xF7A, s1;
	s8 =	simm.s32 @!p0 $0x1BF5;
	p2 =	por !p2, p0  }
0x20: {  	[sflag:s8] =	ssyncset.s32 @!p0 $0xFFFFF086;
	s6 =	sadd.s32 @!p0 s3, s7;
	s7 =	simm.s32 @!p0 $0x108  }
0x21: {  	s3 =	sadd.s32 s3, s9;
	s6 =	sadd.s32 @!p0 $0x88, s6;
	s7 =	simm.s32 @p2 $0x1082  }
0x22: {  	[simem:s7], [sflag:s8] =	dma.local @!p0 [hbm:s6], $0xF7A  }
0x23: {  	s9 =	sor.u32 $0xD0000000, s2;
	s6 =	simm.s32 $0x108;
	_ =	swait.ge @!p0 [sflag:s8], $0x0  }
0x24: {  	s3 =	sadd.s32 $0x88, s3;
	s6 =	simm.s32 @!p1 $0x1082;
	[sflag:s4] =	ssyncset.s32 $0xFFFFF086  }
0x25: {  	[simem:s6], [sflag:s4] =	dma.local [hbm:s3], $0xF7A  }
0x26: {  	[smem:$0x3F93] =	sst s1;
	(tag) =	ssettag s2;
	_ =	strace s9  }
0x27: {  	s1 =	sld [smem:$0x3FA3]  }
0x28: {  	s2 =	sld [smem:$0x3FA4]  }
0x29: {  	s4 =	sld [smem:$0x3FA6]  }
0x2a: {  	p0 =	seq.s32 s5, $0x0;
	s5 =	sld [smem:$0x3FA7]  }
0x2b: {  	s6 =	sld [smem:$0x3FA8]  }
0x2c: {  	s7 =	sld [smem:$0x3FA9]  }
0x2d: {  	s3 =	simm.s32 $0x108;
	s8 =	sld [smem:$0x3FAA]  }
0x2e: {  	s3 =	simm.s32 @!p0 $0x1082;
	s9 =	sld [smem:$0x3FAB]  }
0x2f: {  	lr =	sadd.s32 s0, s3;
	s0 =	sld [smem:$0x3FA2]  }
0x30: {  	s3 =	sld [smem:$0x3FA5]  }
0x31: {  	[smem:$0x3FAE] =	sst s10  }
0x32: {  	s10 =	sld [smem:$0x3FAC];
	_ =	sdelay $0x3  }
0x33: {  	p0 =	seq.s32 s10, $0x1;
	s10 =	sld [smem:$0x3FAE];
	_ =	sdelay $0x3  }
0x34: {  	[smem:$0x3FAE] =	sst s10  }
0x35: {  	s10 =	sld [smem:$0x3FAD];
	_ =	sdelay $0x3  }
0x36: {  	p1 =	seq.s32 s10, $0x1;
	s10 =	sld [smem:$0x3FAE];
	_ =	sdelay $0x3  }
0x37: {  	[smem:$0x3FAE] =	sst s10  }
0x38: {  	s10 =	sld [smem:$0x3FAF]  }
0x39: {  	_ = 	snop;
	(pc) =	sbr.ind lr, $3  }
0x3a: {  	_ = 	snop  }
0x3b: {  	_ = 	snop  }
0x3c: {  	p2 =	seq.s32 s10, $0x1;
	s10 =	sld [smem:$0x3FAE]  }
0x3d: {  	_ =	shalt  }
0x3e: {  	_ =	shalt  }
0x3f: {  	_ =	shalt  }
0x40: {  	_ =	shalt  }
0x41: {  	_ =	shalt  }
0x42: {  	_ =	shalt  }
0x43: {  	_ =	shalt  }
0x44: {  	_ =	shalt  }
0x45: {  	_ =	shalt  }
0x46: {  	_ =	shalt  }
0x47: {  	_ =	shalt  }
0x48: {  	_ =	shalt  }
0x49: {  	_ =	shalt  }
0x4a: {  	_ =	shalt  }
0x4b: {  	_ =	shalt  }
0x4c: {  	_ =	shalt  }
0x4d: {  	_ =	shalt  }
0x4e: {  	_ =	shalt  }
0x4f: {  	_ =	shalt  }
0x50: {  	_ =	shalt  }
0x51: {  	_ =	shalt  }
0x52: {  	_ =	shalt  }
0x53: {  	_ =	shalt  }
0x54: {  	_ =	shalt  }
0x55: {  	_ =	shalt  }
0x56: {  	_ =	shalt  }
0x57: {  	_ =	shalt  }
0x58: {  	_ =	shalt  }
0x59: {  	_ =	shalt  }
0x5a: {  	_ =	shalt  }
0x5b: {  	_ =	shalt  }
0x5c: {  	_ =	shalt  }
0x5d: {  	_ =	shalt  }
0x5e: {  	_ =	shalt  }
0x5f: {  	_ =	shalt  }
0x60: {  	_ =	shalt  }
0x61: {  	_ =	shalt  }
0x62: {  	_ =	shalt  }
0x63: {  	_ =	shalt  }
0x64: {  	_ =	shalt  }
0x65: {  	_ =	shalt  }
0x66: {  	_ =	shalt  }
0x67: {  	_ =	shalt  }
0x68: {  	_ =	shalt  }
0x69: {  	_ =	shalt  }
0x6a: {  	_ =	shalt  }
0x6b: {  	_ =	shalt  }
0x6c: {  	_ =	shalt  }
0x6d: {  	_ =	shalt  }
0x6e: {  	_ =	shalt  }
0x6f: {  	_ =	shalt  }
0x70: {  	_ =	shalt  }
0x71: {  	_ =	shalt  }
0x72: {  	_ =	shalt  }
0x73: {  	_ =	shalt  }
0x74: {  	_ =	shalt  }
0x75: {  	_ =	shalt  }
0x76: {  	_ =	shalt  }
0x77: {  	_ =	shalt  }
0x78: {  	_ =	shalt  }
0x79: {  	_ =	shalt  }
0x7a: {  	_ =	shalt  }
0x7b: {  	_ =	shalt  }
0x7c: {  	_ =	shalt  }
0x7d: {  	_ =	shalt  }
0x7e: {  	_ =	shalt  }
0x7f: {  	_ =	shalt  }
0x80: {  	_ =	shalt  }
0x81: {  	_ =	shalt  }
0x82: {  	_ =	shalt  }
0x83: {  	_ =	shalt  }
0x84: {  	_ =	shalt  }
0x85: {  	_ =	shalt  }
0x86: {  	_ =	shalt  }
0x87: {  	_ =	shalt  }
.Lfunc_end0:
.L_simem_size_0:
called_computation_lowered:
.L_overlay_start_0:
0x88: {  	s2 =	sld [smem:$0x3FD9]  }
0x89: {  	s3 =	sld [smem:$0x3FFE];
	_ =	sdelay $0x1  }
0x8a: {  	s1 =	srdreg.scid  }
0x8b: {  	s0 =	sand.u32 $0x1, s1  }
0x8c: {  	s17 =	sshll.u32 s0, $0xA;
	s2 =	sadd.s32 s3, s2  }
0x8d: {  	s2 =	sadd.s32 s2, s17  }
0x8e: {  	[smem:$0x3FBA] =	sst s2  }
0x8f: {  	_ = 	snop  }
0x90: {  	s2 =	sld [smem:$0x3FD0];
	(tm) =	ssettm $0x1  }
0x91: {  	s18 =	sld [smem:$0x3FFB];
	_ =	sdelay $0x3  }
0x92: {  	_ =	strace s18  }
0x93: {  	s3 =	sld [smem:$0x3FFC];
	_ =	sdelay $0x3  }
0x94: {  	_ =	strace s3  }
0x95: {  	s3 =	sld [smem:$0x3FFD];
	_ =	sdelay $0x3  }
0x96: {  	_ =	strace s3  }
0x97: {  	_ =	strace $0x8FFFFFFF  }
0x98: {  	s19 =	sld [smem:$0x3FDB];
	_ =	sdelay $0x1  }
0x99: {  	s4 =	simm.s32 $_scs_section_size  }
0x9a: {  	s5 =	simm.s32 $_size__tile_overlayer_lowered;
	s6 =	simm.s32 $_tile_overlayer_lowered  }
0x9b: {  	s22 =	simm.s32 $0x1BFF;
	s21 =	sshll.u32 s6, $0x1;
	s3 =	sadd.s32 s4, s19  }
0x9c: {  	s7 =	simm.s32 $0x0;
	s20 =	sshll.u32 s5, $0x1;
	s5 =	sadd.s32 s21, s3  }
0x9d: {  	[timem:s7], [sflag:s22] =	dma.local [hbm:s5], s20  }
0x9e: {  	_ =	swait.ge [sflag:s22], s20  }
0x9f: {  	s4 =	ssub.s32 $0x0, s20;
	[sflag:s22] =	ssyncset.done $0x0  }
0xa0: {  	[sflag:s22] =	ssyncadd.s32 s4;
	_ =	sdelay $0x1  }
0xa1: {  	s23 =	simm.s32 $0x1B8B  }
0xa2: {  	_ =	swait.ge [sflag:s23], $0x1  }
0xa3: {  	[sflag:s23] =	ssyncset.done $0x0  }
0xa4: {  	s25 =	simm.s32 $0x1B8E;
	s24 =	sld [smem:$0x3FFE];
	[sflag:s23] =	ssyncadd.s32 $0xFFFFFFFF  }
0xa5: {  	s26 =	simm.s32 $execute0_lowered;
	[smem:$0x3FD2] =	sst s25  }
0xa6: {  	s5 =	sshll.u32 s26, $0x1;
	_ =	strace $0x80000046;
	[dreg:$0x1] =	wrdreg $0xFFFFFFFF  }
0xa7: {  	s28 =	simm.s32 $_size_execute0_lowered;
	s3 =	sadd.s32 s3, s5;
	[dreg:$0x0] =	wrdreg $0x0  }
0xa8: {  	s5 =	sshll.u32 s28, $0x1;
	[dreg:$0x2] =	wrdreg s3  }
0xa9: {  	[dreg:$0x3] =	wrdreg s5  }
0xaa: {  	[dreg:$0x4] =	wrdreg $0xC0  }
0xab: {  	_ =	task [dreg:s7], $0x5FFFF  }
0xac: {  	[dreg:$0x1] =	wrdreg $0xFFFFFFFF  }
0xad: {  	[dreg:$0x0] =	wrdreg $0x60  }
0xae: {  	[dreg:$0x2] =	wrdreg s24  }
0xaf: {  	[dreg:$0x3] =	wrdreg s2  }
0xb0: {  	[dreg:$0x4] =	wrdreg $0x79000  }
0xb1: {  	[dreg:$0x5] =	wrdreg $0x9  }
0xb2: {  	_ =	task.clear_ibuf [dreg:s7], $0x6FFFF;
	_ =	strace $0x90000046  }
0xb3: {  	s29 =	simm.s32 $0x9;
	_ =	strace $0x80000048  }
0xb4: {  	_ =	swait.ge [sflag:s29], $0x1  }
0xb5: {  	[sflag:s29] =	ssyncadd.s32 $0xFFFFFFFF  }
0xb6: {  	_ =	strace $0x90000048  }
0xb7: {  	_ =	sfence  }
0xb8: {  	s30 =	sld [smem:$0x0];
	_ =	sdelay $0x2  }
0xb9: {  	s31 =	sshll.u32 s1, $0xD;
	s1 =	sshrl.u32 s1, $0x2  }
0xba: {  	s3 =	sand.u32 $0x4000, s31;
	s1 =	sadd.s32 s1, s30  }
0xbb: {  	s0 =	sor.u32 s3, s0;
	s1 =	sshll.u32 s1, $0x11  }
0xbc: {  	s0 =	sor.u32 s1, s0  }
0xbd: {  	s0 =	sadd.s32 $0x8F2B, s0  }
0xbe: {  	[sflag:s0] =	ssyncadd.remote.s32 $0x1  }
0xbf: {  	_ =	sfence.sel $0xFFFF  }
0xc0: {  	[dreg:$0x0] =	wrdreg $0xFFFFFFFF;
	(pc) =	sbr.abs _section_cstart, $3  }
0xc1: {  	[dreg:$0x1] =	wrdreg $0xFFFFFFFF  }
0xc2: {  	_ =	task.clear_ibuf [dreg:s7], $0x2FFFF;
	_ =	strace $0x9FFFFFFF  }
0xc3: {  	(tm) =	ssettm $0x7FFFFFFF  }
tec
execute0_lowered:
.L_overlay_start_1:
0x0: {  	(tag) =	ssettag $0x1  }
0x1: {  	s0 =	rddreg [dreg:$0x0]  }
0x2: {  	s1 =	rddreg [dreg:$0x1]  }
0x3: {  	s2 =	rddreg [dreg:$0x2];
	s3 =	simm.s32 $0x0;
	s4 =	srdreg.scid  }
0x4: {  	s13 =	stileid.u32;
	s20 =	simm.s32 $0x1B900;
	s21 =	simm.s32 $0x3  }
0x5: {  	s22 =	simm.s32 $0x80;
	s23 =	simm.s32 $0x50;
	s24 =	simm.s32 $0x100  }
0x6: {  	s28 =	simm.s32 $0x2;
	s29 =	simm.s32 $0x5100;
	s30 =	simm.s32 $0x0  }
0x7: {  	s31 =	simm.s32 $0x0;
	[smem:$0x7FF] =	sst s3;
	s5 =	sadd.s32 $0x2A00, s0  }
0x8: {  	s4 =	sand.u32 $0x1, s4;
	s6 =	sadd.s32 $0xC800, s0;
	s9 =	smul.u32 $0x50000, s13  }
0x9: {  	s7 =	sadd.s32 $0x33A00, s0;
	s0 =	sadd.s32 $0x5AC00, s0;
	s12 =	smul.u32 $0x14000, s13  }
0xa: {  	_ =	strace $0x80000047;
	s8 =	ssub.s32 $0x2, s4;
	s11 =	sshll.u32 s4, $0x4  }
0xb: {  	s4 =	smul.u32 $0x140000, s4;
	s10 =	sshrl.u32 s8, $0x1;
	s9 =	sshrl.u32 s9, $0x2  }
0xc: {  	s13 =	sor.u32 s13, s11;
	s15 =	sadd.s32 $0x4000, s12;
	s16 =	sadd.s32 $0x8000, s12  }
0xd: {  	s17 =	sadd.s32 $0xC000, s12;
	s18 =	sadd.s32 $0x10000, s12;
	s14 =	ssub.s32 s8, s10  }
0xe: {  	s8 =	sadd.s32 s9, s2;
	s9 =	sadd.s32 s15, s2;
	s10 =	sadd.s32 s16, s2  }
0xf: {  	s11 =	sadd.s32 s17, s2;
	s19 =	sadd.s32 s12, s4;
	s12 =	sadd.s32 s18, s2  }
0x10: {  	s15 =	sadd.s32 s4, s15;
	s13 =	smul.u32 $0x2710, s13;
	s25 =	sadd.s32 s4, s16  }
0x11: {  	s26 =	sadd.s32 s4, s17;
	s4 =	sadd.s32 s4, s18;
	s19 =	sshrl.u32 s19, $0x3  }
0x12: {  	s15 =	sshrl.u32 s15, $0x3;
	s16 =	sshrl.u32 s26, $0x3;
	s4 =	sshrl.u32 s4, $0x3  }
0x13: {  	s26 =	simm.s32 $0x1;
	s19 =	sadd.s32 s0, s19;
	s15 =	sadd.s32 s0, s15  }
0x14: {  	s17 =	sadd.s32 s0, s16;
	[dreg:$0x5] =	wrdreg s15;
	s15 =	sshrl.u32 s25, $0x3  }
0x15: {  	s18 =	sadd.s32 s0, s4;
	[dreg:$0x4] =	wrdreg s19;
	s15 =	sadd.s32 s0, s15  }
0x16: {  	v0 =	vimm.f32 $0.0e+00;
	s19 =	smax.u32 s14, $0x1;
	s25 =	simm.s32 $0x2900;
	[dreg:$0x6] =	wrdreg s15  }
.LBB2_1:
0x17: {  	s0 =	simm.s32 $0x0;
	s4 =	simm.s32 $0x200  }
.LBB2_2:
0x18: {  	p0 =	sne.s32 s4, $0xFE00;
	[tilespmem:s0+$0x1B970] =	vst v0  }
0x19: {  	[tilespmem:s0+$0x1B900] =	vst v0  }
0x1a: {  	[tilespmem:s0+$0x1B910] =	vst v0  }
.Ltmp0:
0x1b: {  	[tilespmem:s0+$0x1B920] =	vst v0;
	(pc) =	sbr.rel @p0 .LBB2_2-.Ltmp0, $4  }
0x1c: {  	[tilespmem:s0+$0x1B930] =	vst v0  }
0x1d: {  	[tilespmem:s0+$0x1B940] =	vst v0  }
0x1e: {  	[tilespmem:s0+$0x1B950] =	vst v0  }
0x1f: {  	[tilespmem:s0+$0x1B960] =	vst v0;
	s0 =	sshra.s32 s4, $0x2;
	s4 =	sadd.s32 $0x200, s4  }
0x20: {  	[tilespmem:s0+$0x1B970] =	vst v0  }
0x21: {  	[tilespmem:s0+$0x1B900] =	vst v0  }
0x22: {  	[tilespmem:s0+$0x1B910] =	vst v0  }
0x23: {  	[tilespmem:s0+$0x1B920] =	vst v0  }
0x24: {  	[tilespmem:s0+$0x1B930] =	vst v0  }
0x25: {  	[tilespmem:s0+$0x1B940] =	vst v0  }
0x26: {  	[tilespmem:s0+$0x1B950] =	vst v0  }
0x27: {  	[tilespmem:s0+$0x1B960] =	vst v0  }
0x28: {  	[spmem:s8] =	stream.linear.scatter [tilespmem:s20], [sflag:$0x3], $0x4000, $0x38;
	[tilespmem:$0x1F900] =	vst v63  }
0x29: {  	_ =	swait.ge [sflag:s21], $0x4000  }
0x2a: {  	[sflag:s21] =	ssyncset.done $0x0  }
0x2b: {  	[sflag:s21] =	ssyncadd.s32 $0xFFFFC000  }
0x2c: {  	[spmem:s9] =	stream.linear.scatter [tilespmem:s20], [sflag:$0x3], $0x4000, $0x38;
	[tilespmem:$0x1F900] =	vst v63  }
0x2d: {  	_ =	swait.ge [sflag:s21], $0x4000  }
0x2e: {  	[sflag:s21] =	ssyncset.done $0x0  }
0x2f: {  	[sflag:s21] =	ssyncadd.s32 $0xFFFFC000  }
0x30: {  	[spmem:s10] =	stream.linear.scatter [tilespmem:s20], [sflag:$0x3], $0x4000, $0x38;
	[tilespmem:$0x1F900] =	vst v63  }
0x31: {  	_ =	swait.ge [sflag:s21], $0x4000  }
0x32: {  	[sflag:s21] =	ssyncset.done $0x0  }
0x33: {  	[sflag:s21] =	ssyncadd.s32 $0xFFFFC000  }
0x34: {  	[spmem:s11] =	stream.linear.scatter [tilespmem:s20], [sflag:$0x3], $0x4000, $0x38;
	[tilespmem:$0x1F900] =	vst v63  }
0x35: {  	_ =	swait.ge [sflag:s21], $0x4000  }
0x36: {  	[sflag:s21] =	ssyncset.done $0x0  }
0x37: {  	[sflag:s21] =	ssyncadd.s32 $0xFFFFC000  }
0x38: {  	[spmem:s12] =	stream.linear.scatter [tilespmem:s20], [sflag:$0x3], $0x4000, $0x38;
	[tilespmem:$0x1F900] =	vst v63  }
0x39: {  	_ =	swait.ge [sflag:s21], $0x4000  }
0x3a: {  	[sflag:s21] =	ssyncset.done $0x0  }
0x3b: {  	[sflag:s21] =	ssyncadd.s32 $0xFFFFC000  }
0x3c: {  	s0 =	simm.s32 $0x0;
	[bflag:$0x0] =	sbarrier.arrive $0xFFFF  }
.LBB2_4:
0x3d: {  	s4 =	smul.u32 $0x50, s0;
	_ =	sdelay $0x1  }
0x3e: {  	s4 =	sadd.s32 s13, s4  }
0x3f: {  	s4 =	sshrl.u32 s4, $0x3  }
0x40: {  	s14 =	sadd.s32 s5, s4  }
0x41: {  	[tilespmem:s31], [sflag:$0x3] =	stream.linear.gather [hbm4b:s14+s31], $0x50, $0x38;
	[tilespmem:$0x1F900] =	vst v63  }
0x42: {  	_ =	swait.ge [sflag:s21], $0x50  }
0x43: {  	[sflag:s21] =	ssyncset.done $0x0  }
0x44: {  	s4 =	sadd.s32 s1, s4;
	[sflag:s21] =	ssyncadd.s32 $0xFFFFFFB0  }
0x45: {  	[tilespmem:s22], [sflag:$0x3] =	stream.linear.gather [hbm4b:s4+s31], $0x50, $0x38;
	[tilespmem:$0x1F900] =	vst v63  }
0x46: {  	_ =	swait.ge [sflag:s21], $0x50  }
0x47: {  	[sflag:s21] =	ssyncset.done $0x0  }
0x48: {  	[sflag:s21] =	ssyncadd.s32 $0xFFFFFFB0  }
0x49: {  	[tilespmem:s24], [sflag:$0x1] =	stream.indirect.gather [hbm4b:s6+s23], $0x80, s31, s23, $0xb8;
	[tilespmem:$0x1F900] =	vst v63  }
0x4a: {  	_ = 	snop  }
0x4b: {  	[tilespmem:s25], [sflag:$0x2] =	stream.indirect.gather [hbm4b:s7+s23], $0x80, s22, s23, $0xb8;
	[tilespmem:$0x1F900] =	vst v63  }
0x4c: {  	_ =	swait.ge [sflag:s26], $0x2800  }
0x4d: {  	[sflag:s26] =	ssyncset.done $0x0  }
0x4e: {  	[sflag:s26] =	ssyncadd.s32 $0xFFFFD800  }
0x4f: {  	_ =	swait.ge [sflag:s28], $0x2800  }
0x50: {  	[sflag:s28] =	ssyncset.done $0x0  }
0x51: {  	s14 =	simm.s32 $0x0;
	[sflag:s28] =	ssyncadd.s32 $0xFFFFD800  }
0x52: {  	v1 =	vld [tilespmem:s14+$0x130]  }
0x53: {  	v2 =	vld [tilespmem:s14+$0x2930]  }
0x54: {  	v4 =	vld [tilespmem:s14+$0x100]  }
0x55: {  	v5 =	vld [tilespmem:s14+$0x2900]  }
0x56: {  	v6 =	vld [tilespmem:s14+$0x110]  }
0x57: {  	v7 =	vld [tilespmem:s14+$0x2910]  }
0x58: {  	v8 =	vld [tilespmem:s14+$0x120];
	v1 =	vadd.f32 v2, v1  }
0x59: {  	v9 =	vld [tilespmem:s14+$0x2920]  }
0x5a: {  	v10 =	vmul.f32 $2.000000030e-01, v1  }
0x5b: {  	s4 =	simm.s32 $0x80;
	v3 =	vld [tilespmem:s14+$0x140];
	v4 =	vadd.f32 v5, v4;
	vm0 =	vgt.f32 v1, $0.0e+00  }
0x5c: {  	v11 =	vld [tilespmem:s4+$0x130];
	v6 =	vadd.f32 v7, v6;
	v10 =	vsel vm0, v1, v10  }
0x5d: {  	v13 =	vld [tilespmem:s4+$0x110];
	v7 =	vmul.f32 $2.000000030e-01, v4;
	v10 =	vmul.f32 $1.442695020e+00, v10  }
0x5e: {  	v14 =	vld [tilespmem:s4+$0x2910];
	v8 =	vadd.f32 v9, v8;
	v12 =	vmul.f32 $2.000000030e-01, v6;
	vm0 =	vgt.f32 v4, $0.0e+00  }
0x5f: {  	v5 =	vld [tilespmem:s4+$0x2930];
	v4 =	vsel vm0, v4, v7;
	vm0 =	vgt.f32 v6, $0.0e+00;
	(erf) = vpow2.f32 v10  }
0x60: {  	v9 =	vld [tilespmem:s4+$0x2900];
	v4 =	vmul.f32 $1.442695020e+00, v4;
	v6 =	vsel vm0, v6, v12  }
0x61: {  	v7 =	vmul.f32 $2.000000030e-01, v8;
	v10 =	vld [tilespmem:s4+$0x100];
	v6 =	vmul.f32 $1.442695020e+00, v6  }
0x62: {  	v2 =	vld [tilespmem:s14+$0x150];
	vm0 =	vgt.f32 v8, $0.0e+00;
	(erf) = vpow2.f32 v4  }
0x63: {  	v1 =	vld [tilespmem:s14+$0x160];
	v8 =	vsel vm0, v8, v7;
	(erf) = vpow2.f32 v6  }
0x64: {  	v11 =	vadd.f32 v5, v11;
	v12 =	vld [tilespmem:s14+$0x170];
	v4 =	vmul.f32 $1.442695020e+00, v8  }
0x65: {  	v7 =	vld [tilespmem:s4+$0x120]  }
0x66: {  	v8 =	vld [tilespmem:s4+$0x2920];
	(erf) = vpow2.f32 v4;
	v15 =	vadd.f32 v9, v10;
	v9 =	vmul.f32 $2.000000030e-01, v11  }
0x67: {  	vm0 =	vgt.f32 v11, $0.0e+00;
	v6 =	vld [tilespmem:s4+$0x140]  }
0x68: {  	v5 =	vld [tilespmem:s4+$0x150];
	v10 =	vadd.f32 v14, v13;
	v16 =	vmul.f32 $2.000000030e-01, v15;
	v9 =	vsel vm0, v11, v9;
	v13 =	vpop (erf)  }
0x69: {  	s15 =	simm.s32 $0x100;
	v4 =	vld [tilespmem:s4+$0x160];
	vm0 =	vgt.f32 v15, $0.0e+00;
	v11 =	vmul.f32 $1.442695020e+00, v9;
	[tilespmem:s14+$0x5130] =	vst v13;
	v14 =	vmul.f32 v13, v12  }
0x6a: {  	s16 =	simm.s32 $0x600;
	v13 =	vsel vm0, v15, v16;
	vm0 =	vgt.f32 v10, $0.0e+00;
	v12 =	vmul.f32 $2.000000030e-01, v10;
	v9 =	vld [tilespmem:s15+$0x130]  }
.LBB2_5:
0x6b: {  	p0 =	sne.s32 s16, $0x9E00;
	v15 =	vld [tilespmem:s15+$0x2930];
	v13 =	vmul.f32 $1.442695020e+00, v13;
	v7 =	vadd.f32 v8, v7;
	(erf) = vpow2.f32 v11;
	[tilespmem:s14+$0x5170] =	vst v14;
	v8 =	vpop (erf)  }
0x6c: {  	v11 =	vld [tilespmem:s15+$0x100];
	v10 =	vsel vm0, v10, v12;
	[tilespmem:s14+$0x5100] =	vst v8;
	v8 =	vmul.f32 v8, v3;
	v12 =	vpop (erf);
	v3 =	vmov v6  }
0x6d: {  	v6 =	vld [tilespmem:s15+$0x2900];
	v17 =	vmul.f32 $1.442695020e+00, v10;
	vm0 =	vgt.f32 v7, $0.0e+00;
	v14 =	vmul.f32 $2.000000030e-01, v7;
	[tilespmem:s14+$0x5110] =	vst v12  }
0x6e: {  	v16 =	vld [tilespmem:s15+$0x110];
	(erf) = vpow2.f32 v13;
	[tilespmem:s14+$0x5140] =	vst v8;
	v8 =	vmul.f32 v12, v2;
	v2 =	vmov v5  }
0x6f: {  	v12 =	vld [tilespmem:s15+$0x2910];
	v5 =	vsel vm0, v7, v14;
	(erf) = vpow2.f32 v17;
	v10 =	vpop (erf)  }
0x70: {  	v9 =	vadd.f32 v15, v9;
	v5 =	vmul.f32 $1.442695020e+00, v5;
	v13 =	vld [tilespmem:s4+$0x170];
	[tilespmem:s14+$0x5150] =	vst v8;
	v14 =	vmul.f32 v10, v1;
	v1 =	vmovc v4  }
0x71: {  	v7 =	vld [tilespmem:s15+$0x120];
	[tilespmem:s14+$0x5120] =	vst v10  }
.Ltmp1:
0x72: {  	v15 =	vadd.f32 v6, v11;
	v8 =	vld [tilespmem:s15+$0x2920];
	v4 =	vmul.f32 $2.000000030e-01, v9;
	(erf) = vpow2.f32 v5;
	[tilespmem:s14+$0x5160] =	vst v14;
	s14 =	smov.u32 s4;
	s4 =	smov.u32 s15;
	(pc) =	sbr.rel @p0 .LBB2_5-.Ltmp1, $4  }
0x73: {  	vm0 =	vgt.f32 v9, $0.0e+00;
	v6 =	vld [tilespmem:s4+$0x140]  }
0x74: {  	v17 =	vmul.f32 $2.000000030e-01, v15;
	v5 =	vld [tilespmem:s4+$0x150];
	v10 =	vadd.f32 v12, v16;
	v9 =	vsel vm0, v9, v4;
	v12 =	vpop (erf)  }
0x75: {  	s15 =	sshra.s32 s16, $0x2;
	vm0 =	vgt.f32 v15, $0.0e+00;
	v4 =	vld [tilespmem:s4+$0x160];
	v11 =	vmul.f32 $1.442695020e+00, v9;
	[tilespmem:s14+$0x5130] =	vst v12;
	v14 =	vmul.f32 v12, v13  }
0x76: {  	s16 =	sadd.s32 $0x200, s16;
	v9 =	vld [tilespmem:s15+$0x130];
	v13 =	vsel vm0, v15, v17;
	vm0 =	vgt.f32 v10, $0.0e+00;
	v12 =	vmul.f32 $2.000000030e-01, v10  }
0x77: {  	v15 =	vld [tilespmem:s15+$0x2930];
	[tilespmem:s14+$0x5170] =	vst v14;
	v46 =	vpop (erf)  }
0x78: {  	v16 =	vld [tilespmem:s15+$0x100];
	[tilespmem:s14+$0x5100] =	vst v46;
	v17 =	vpop (erf);
	v3 =	vmul.f32 v46, v3  }
0x79: {  	(erf) = vpow2.f32 v11;
	v18 =	vld [tilespmem:s15+$0x2900];
	[tilespmem:s14+$0x5110] =	vst v17  }
0x7a: {  	v7 =	vadd.f32 v8, v7;
	v2 =	vmul.f32 v17, v2;
	v47 =	vld [tilespmem:s15+$0x110];
	[tilespmem:s14+$0x5140] =	vst v3  }
0x7b: {  	v48 =	vmul.f32 $1.442695020e+00, v13;
	v49 =	vsel vm0, v10, v12;
	v3 =	vld [tilespmem:s15+$0x2910]  }
0x7c: {  	v8 =	vmul.f32 $1.442695020e+00, v49;
	v50 =	vld [tilespmem:s4+$0x170];
	[tilespmem:s14+$0x5150] =	vst v2;
	v2 =	vmul.f32 $2.000000030e-01, v7;
	v51 =	vpop (erf)  }
0x7d: {  	(erf) = vpow2.f32 v48;
	vm11 =	vgt.f32 v7, $0.0e+00;
	v52 =	vld [tilespmem:s15+$0x120];
	v53 =	vadd.f32 v15, v9;
	[tilespmem:s14+$0x5120] =	vst v51  }
0x7e: {  	(erf) = vpow2.f32 v8;
	v2 =	vsel vm11, v7, v2;
	v54 =	vld [tilespmem:s15+$0x2920]  }
0x7f: {  	v2 =	vmul.f32 $1.442695020e+00, v2;
	v9 =	vmul.f32 $2.000000030e-01, v53  }
0x80: {  	v1 =	vmul.f32 v51, v1;
	v55 =	vadd.f32 v18, v16;
	vm12 =	vgt.f32 v53, $0.0e+00  }
0x81: {  	(erf) = vpow2.f32 v2;
	v2 =	vadd.f32 v3, v47;
	v3 =	vsel vm12, v53, v9  }
0x82: {  	v56 =	vmul.f32 $2.000000030e-01, v55;
	v58 =	vpop (erf);
	vm13 =	vgt.f32 v55, $0.0e+00;
	v3 =	vmul.f32 $1.442695020e+00, v3  }
0x83: {  	[tilespmem:s14+$0x5160] =	vst v1;
	v10 =	vmul.f32 v58, v50;
	v60 =	vmul.f32 $2.000000030e-01, v2;
	v7 =	vadd.f32 v54, v52  }
0x84: {  	v1 =	vld [tilespmem:s15+$0x140];
	v8 =	vsel vm13, v55, v56;
	vm14 =	vgt.f32 v2, $0.0e+00;
	(erf) = vpow2.f32 v3  }
0x85: {  	v57 =	vld [tilespmem:s15+$0x150];
	v3 =	vmul.f32 $1.442695020e+00, v8;
	v2 =	vsel vm14, v2, v60;
	v62 =	vmul.f32 $2.000000030e-01, v7  }
0x86: {  	v59 =	vld [tilespmem:s15+$0x160];
	[tilespmem:s4+$0x5130] =	vst v58;
	v61 =	vpop (erf);
	vm15 =	vgt.f32 v7, $0.0e+00;
	v2 =	vmul.f32 $1.442695020e+00, v2  }
0x87: {  	[tilespmem:s4+$0x5170] =	vst v10;
	v6 =	vmul.f32 v61, v6;
	(erf) = vpow2.f32 v3;
	v3 =	vsel vm15, v7, v62  }
0x88: {  	[tilespmem:s4+$0x5100] =	vst v61;
	v63 =	vpop (erf);
	(erf) = vpow2.f32 v2;
	v2 =	vmul.f32 $1.442695020e+00, v3  }
0x89: {  	[tilespmem:s4+$0x5110] =	vst v63  }
0x8a: {  	[tilespmem:s4+$0x5140] =	vst v6  }
0x8b: {  	v5 =	vmul.f32 v63, v5;
	v3 =	vld [tilespmem:s15+$0x170]  }
0x8c: {  	(erf) = vpow2.f32 v2;
	v2 =	vpop (erf)  }
0x8d: {  	[tilespmem:s4+$0x5150] =	vst v5;
	v4 =	vmul.f32 v2, v4  }
0x8e: {  	[tilespmem:s4+$0x5120] =	vst v2  }
0x8f: {  	v2 =	vpop (erf);
	[tilespmem:s4+$0x5160] =	vst v4  }
0x90: {  	v3 =	vmul.f32 v2, v3;
	[tilespmem:s15+$0x5130] =	vst v2;
	v2 =	vpop (erf)  }
0x91: {  	v1 =	vmul.f32 v2, v1  }
0x92: {  	[tilespmem:s15+$0x5170] =	vst v3  }
0x93: {  	[tilespmem:s15+$0x5100] =	vst v2;
	v2 =	vpop (erf)  }
0x94: {  	[tilespmem:s15+$0x5110] =	vst v2;
	v2 =	vmul.f32 v2, v57  }
0x95: {  	[tilespmem:s15+$0x5140] =	vst v1;
	v1 =	vpop (erf)  }
0x96: {  	s0 =	sadd.s32 $0x1, s0;
	[tilespmem:s15+$0x5150] =	vst v2;
	v2 =	vmul.f32 v1, v59  }
0x97: {  	p0 =	sne.s32 s0, $0x7D;
	[tilespmem:s15+$0x5120] =	vst v1  }
.Ltmp2:
0x98: {  	[tilespmem:s15+$0x5160] =	vst v2;
	(pc) =	sbr.rel @p0 .LBB2_4-.Ltmp2, $4  }
0x99: {  	[spmem:s2] =	stream.indirect.scatter.add.f32 [tilespmem:s29], [sflag:$0x3], $0x80, s22, s23, $0xb8;
	[tilespmem:$0x1F900] =	vst v63  }
0x9a: {  	_ =	swait.ge [sflag:s21], $0x2800  }
0x9b: {  	[sflag:s21] =	ssyncset.done $0x0  }
0x9c: {  	[sflag:s21] =	ssyncadd.s32 $0xFFFFD800  }
0x9d: {  	[bflag:$0x0] =	sbarrier.arrive $0xFFFF  }
0x9e: {  	[tilespmem:s20], [sflag:$0x3] =	stream.linear.gather [spmem:s8], $0x4000, $0x38;
	[tilespmem:$0x1F900] =	vst v63  }
0x9f: {  	_ =	swait.ge [sflag:s21], $0x4000  }
0xa0: {  	[sflag:s21] =	ssyncset.done $0x0  }
0xa1: {  	s0 =	rddreg [dreg:$0x4];
	[sflag:s21] =	ssyncadd.s32 $0xFFFFC000  }
0xa2: {  	[hbm4b:s0+s3] =	stream.linear.scatter [tilespmem:s20], [sflag:$0x3], $0x4000, $0x38;
	[tilespmem:$0x1F900] =	vst v63  }
0xa3: {  	_ =	swait.ge [sflag:s21], $0x4000  }
0xa4: {  	[sflag:s21] =	ssyncset.done $0x0  }
0xa5: {  	[sflag:s21] =	ssyncadd.s32 $0xFFFFC000  }
0xa6: {  	[tilespmem:s20], [sflag:$0x3] =	stream.linear.gather [spmem:s9], $0x4000, $0x38;
	[tilespmem:$0x1F900] =	vst v63  }
0xa7: {  	_ =	swait.ge [sflag:s21], $0x4000  }
0xa8: {  	[sflag:s21] =	ssyncset.done $0x0  }
0xa9: {  	s15 =	rddreg [dreg:$0x5];
	[sflag:s21] =	ssyncadd.s32 $0xFFFFC000  }
0xaa: {  	[hbm4b:s15+s3] =	stream.linear.scatter [tilespmem:s20], [sflag:$0x3], $0x4000, $0x38;
	[tilespmem:$0x1F900] =	vst v63  }
0xab: {  	_ =	swait.ge [sflag:s21], $0x4000  }
0xac: {  	[sflag:s21] =	ssyncset.done $0x0  }
0xad: {  	[sflag:s21] =	ssyncadd.s32 $0xFFFFC000  }
0xae: {  	[tilespmem:s20], [sflag:$0x3] =	stream.linear.gather [spmem:s10], $0x4000, $0x38;
	[tilespmem:$0x1F900] =	vst v63  }
0xaf: {  	_ =	swait.ge [sflag:s21], $0x4000  }
0xb0: {  	[sflag:s21] =	ssyncset.done $0x0  }
0xb1: {  	s16 =	rddreg [dreg:$0x6];
	[sflag:s21] =	ssyncadd.s32 $0xFFFFC000  }
0xb2: {  	[hbm4b:s16+s3] =	stream.linear.scatter [tilespmem:s20], [sflag:$0x3], $0x4000, $0x38;
	[tilespmem:$0x1F900] =	vst v63  }
0xb3: {  	_ =	swait.ge [sflag:s21], $0x4000  }
0xb4: {  	[sflag:s21] =	ssyncset.done $0x0  }
0xb5: {  	[sflag:s21] =	ssyncadd.s32 $0xFFFFC000  }
0xb6: {  	[tilespmem:s20], [sflag:$0x3] =	stream.linear.gather [spmem:s11], $0x4000, $0x38;
	[tilespmem:$0x1F900] =	vst v63  }
0xb7: {  	_ =	swait.ge [sflag:s21], $0x4000  }
0xb8: {  	[sflag:s21] =	ssyncset.done $0x0  }
0xb9: {  	[sflag:s21] =	ssyncadd.s32 $0xFFFFC000  }
0xba: {  	[hbm4b:s17+s3] =	stream.linear.scatter [tilespmem:s20], [sflag:$0x3], $0x4000, $0x38;
	[tilespmem:$0x1F900] =	vst v63  }
0xbb: {  	_ =	swait.ge [sflag:s21], $0x4000  }
0xbc: {  	[sflag:s21] =	ssyncset.done $0x0  }
0xbd: {  	[sflag:s21] =	ssyncadd.s32 $0xFFFFC000  }
0xbe: {  	[tilespmem:s20], [sflag:$0x3] =	stream.linear.gather [spmem:s12], $0x4000, $0x38;
	[tilespmem:$0x1F900] =	vst v63  }
0xbf: {  	s30 =	sadd.s32 $0x1, s30;
	_ =	swait.ge [sflag:s21], $0x4000  }
0xc0: {  	p0 =	sne.s32 s30, s19;
	[sflag:s21] =	ssyncset.done $0x0  }
.Ltmp3:
0xc1: {  	[sflag:s21] =	ssyncadd.s32 $0xFFFFC000;
	(pc) =	sbr.rel @p0 .LBB2_1-.Ltmp3, $4  }
0xc2: {  	[hbm4b:s18+s3] =	stream.linear.scatter [tilespmem:s20], [sflag:$0x3], $0x4000, $0x38;
	[tilespmem:$0x1F900] =	vst v63  }
0xc3: {  	_ =	swait.ge [sflag:s21], $0x4000  }
0xc4: {  	[sflag:s21] =	ssyncset.done $0x0  }
0xc5: {  	[sflag:s21] =	ssyncadd.s32 $0xFFFFC000  }
0xc6: {  	_ =	sfence.sel $0x180000  }
0xc7: {  	[bflag:$0x0] =	sbarrier.arrive $0xFFFF  }
0xc8: {  	_ =	strace $0x90000047  }
0xc9: {  	s0 =	stileid.u32;
	[bflag:$0x2] =	sbarrier.arrive $0xFFFF  }
0xca: {  	p0 =	sne.s32 s0, $0x0;
	s0 =	rddreg [dreg:$0x3]  }
0xcb: {  	s0 =	sadd.s32 @!p0 $0x100000, s0  }
0xcc: {  	[sflag:s0] =	ssyncadd.tile.s32 @!p0 $0x1;
	_ =	shalt  }
.Lfunc_end2:
_tile_overlayer_lowered:
.L_overlay_start_2:
0xcd: {  	(tag) =	ssettag $0x2  }
0xce: {  	s0 =	rddreg [dreg:$0x0];
	s2 =	stileid.u32  }
0xcf: {  	s1 =	rddreg [dreg:$0x1];
	p0 =	sne.s32 s2, $0x0  }
0xd0: {  	s3 =	rddreg [dreg:$0x2];
	[bflag:$0x3] =	sbarrier.arrive $0xFFFF;
	s2 =	simm.s32 @!p0 $0x1C03  }
0xd1: {  	[timem:s3], [sflag:s2] =	dma.local @!p0 [hbm:s0], s1  }
0xd2: {  	s0 =	simm.s32 @!p0 $0x3  }
0xd3: {  	_ =	swait.ge @!p0 [sflag:s0], s1  }
0xd4: {  	s1 =	ssub.s32 @!p0 $0x0, s1;
	[sflag:s0] =	ssyncset.done @!p0 $0x0  }
0xd5: {  	[sflag:s0] =	ssyncadd.s32 @!p0 s1  }
0xd6: {  	[bflag:$0x3] =	sbarrier.arrive $0xFFFF  }
0xd7: {  	_ =	shalt  }

</sc_bundles>
